<compile_context>
chip_gen: v7x
topology: tpu7x:2x2x1
jax: 0.10.2.dev20260603
libtpu: 0.0.44.dev20260713+nightly
codegen_flags: <defaults>
</compile_context>

<pallas_src>
import jax
import jax.numpy as jnp
from jax import lax
from jax.experimental import pallas as pl
from jax.experimental.pallas import tpu as pltpu
from jax.experimental.pallas import tpu_sc as plsc

VOCAB = 100000
DIM = 128
BATCH = 16384

_info = plsc.get_sparse_core_info()
_NC, _NS, _L = _info.num_cores, _info.num_subcores, _info.num_lanes
_NW = _NC * _NS
_CHUNK = BATCH // _NW
_NV = _CHUNK // _L
_Q = 16
_QSH = _Q.bit_length() - 1
_PAD = _CHUNK + 3 * _Q
_NQ = _PAD // _Q


def _body(t0, t1, t2, ids_hbm, split_hbm, out_hbm,
          idx_v, spl_v, sidx_v, spos_v, rows_v, gsem, ssem):
    wid = lax.axis_index("s") * _NC + lax.axis_index("c")
    base = wid * _CHUNK
    pltpu.sync_copy(ids_hbm.at[pl.ds(base, _CHUNK)], idx_v)
    pltpu.sync_copy(split_hbm.at[pl.ds(base, _CHUNK)], spl_v)

    iota = lax.iota(jnp.int32, _L)

    def count(i, c):
        s = spl_v[pl.ds(i * _L, _L)]
        a0, a1 = c
        return (a0 + (s == 0).astype(jnp.int32), a1 + (s == 1).astype(jnp.int32))

    zz = jnp.zeros((_L,), jnp.int32)
    a0, a1 = lax.fori_loop(0, _NV, count, (zz, zz))
    c0 = jnp.sum(a0)
    c1 = jnp.sum(a1)
    c2 = _CHUNK - c0 - c1
    b1 = (c0 + _Q - 1) & ~(_Q - 1)
    b2 = b1 + ((c1 + _Q - 1) & ~(_Q - 1))
    b3 = b2 + ((c2 + _Q - 1) & ~(_Q - 1))

    def place(i, o):
        o0, o1, o2 = o
        s = spl_v[pl.ds(i * _L, _L)]
        ids = idx_v[pl.ds(i * _L, _L)]
        pos = base + i * _L + iota
        m0 = (s == 0).astype(jnp.int32)
        m1 = (s == 1).astype(jnp.int32)
        m2 = (s == 2).astype(jnp.int32)
        r0 = plsc.cumsum(m0)
        r1 = plsc.cumsum(m1)
        r2 = plsc.cumsum(m2)
        slot = (m0 * (o0 + r0 - 1) + m1 * (o1 + r1 - 1) + m2 * (o2 + r2 - 1))
        plsc.store_scatter(sidx_v, [slot], ids)
        plsc.store_scatter(spos_v, [slot >> _QSH, slot & (_Q - 1)], pos)
        return (o0 + r0[_L - 1], o1 + r1[_L - 1], o2 + r2[_L - 1])

    o0, o1, o2 = lax.fori_loop(0, _NV, place, (jnp.int32(0), b1, b2))

    for ot, bt, bn in ((o0, jnp.int32(0), b1), (o1, b1, b2), (o2, b2, b3)):
        first_idx = sidx_v[pl.ds(bt, _L)][0]
        first_pos = spos_v[bt >> _QSH, pl.ds(0, _L)][0]
        fi = jnp.full((_L,), first_idx, jnp.int32)
        fp = jnp.full((_L,), first_pos, jnp.int32)
        for j in range(_Q // _L):
            slots = ot + j * _L + iota
            mask = slots < bn
            plsc.store_scatter(sidx_v, [slots], fi, mask=mask)
            plsc.store_scatter(spos_v, [slots >> _QSH, slots & (_Q - 1)],
                               fp, mask=mask)

    for tab, qs, qe in ((t0, jnp.int32(0), b1 // _Q), (t1, b1 // _Q, b2 // _Q),
                        (t2, b2 // _Q, b3 // _Q)):
        def fire(q, _, tab=tab):
            pltpu.async_copy(tab.at[sidx_v.at[pl.ds(q * _Q, _Q)]],
                             rows_v.at[pl.ds(q * _Q, _Q)], gsem)
            return _
        lax.fori_loop(qs, qe, fire, 0)

    def drain_g(q, _):
        pltpu.make_async_copy(t0.at[sidx_v.at[pl.ds(0, _Q)]],
                              rows_v.at[pl.ds(0, _Q)], gsem).wait()
        return _
    lax.fori_loop(0, b3 // _Q, drain_g, 0)

    def fire_s(q, _):
        pltpu.async_copy(rows_v.at[pl.ds(q * _Q, _Q)],
                         out_hbm.at[spos_v.at[q]], ssem)
        return _
    lax.fori_loop(0, b3 // _Q, fire_s, 0)

    def drain_s(q, _):
        pltpu.make_async_copy(rows_v.at[pl.ds(0, _Q)],
                              out_hbm.at[spos_v.at[0]], ssem).wait()
        return _
    lax.fori_loop(0, b3 // _Q, drain_s, 0)


@jax.jit
def _run(t0, t1, t2, ids, split):
    mesh = plsc.VectorSubcoreMesh(core_axis_name="c", subcore_axis_name="s")
    return pl.kernel(
        _body,
        mesh=mesh,
        compiler_params=pltpu.CompilerParams(
            needs_layout_passes=False,
            disable_bounds_checks=True,
            disable_semaphore_checks=True,
        ),
        out_type=jax.ShapeDtypeStruct((BATCH, DIM), jnp.float32),
        scratch_types=[
            pltpu.VMEM((_CHUNK,), jnp.int32),
            pltpu.VMEM((_CHUNK,), jnp.int32),
            pltpu.VMEM((_PAD,), jnp.int32),
            pltpu.VMEM((_NQ, _Q), jnp.int32),
            pltpu.VMEM((_PAD, DIM), jnp.float32),
            pltpu.SemaphoreType.DMA,
            pltpu.SemaphoreType.DMA,
        ],
    )(t0, t1, t2, ids, split)


def kernel(query_enc_train, query_enc_dev, query_enc_test, ex_ids, split):
    return _run(query_enc_train, query_enc_dev, query_enc_test,
                ex_ids.astype(jnp.int32), split.astype(jnp.int32))

# --- scband reference (transcript-rebuilt; emitter-appended) ---
"""Pipeline reference for scband-precomputed-query-encoder-42013370089984 (READ-ONLY COPY).

The authoritative reference and input builder live on the scoring server;
editing this copy changes nothing except your own understanding.
"""

import jax, jax.numpy as jnp
import numpy as np

VOCAB = 100000
DIM = 128
BATCH = 16384

def setup_inputs(seed: int = 0) -> dict:
    key = jax.random.key(seed)
    k1, k2, k3, k4, k5 = jax.random.split(key, 5)
    query_enc_train = jax.random.normal(k1, (VOCAB, DIM), dtype=jnp.float32)
    query_enc_dev = jax.random.normal(k2, (VOCAB, DIM), dtype=jnp.float32)
    query_enc_test = jax.random.normal(k3, (VOCAB, DIM), dtype=jnp.float32)
    ex_ids = jax.random.randint(k4, (BATCH,), 0, VOCAB, dtype=jnp.int64 if jax.config.jax_enable_x64 else jnp.int32).astype(jnp.int32)
    split = jax.random.randint(k5, (BATCH,), 0, 3, dtype=jnp.int32)
    return {
        'query_enc_train': query_enc_train,
        'query_enc_dev': query_enc_dev,
        'query_enc_test': query_enc_test,
        'ex_ids': ex_ids,
        'split': split,
    }

def reference(query_enc_train, query_enc_dev, query_enc_test, ex_ids, split):
    # Original torch loop: per-example, pick the row from the table matching its split.
    # Vectorized: gather from each table, then select per-row by split id
    # (0 = 'train', 1 = 'dev', 2 = 'test').
    g_train = jnp.take(query_enc_train, ex_ids, axis=0)
    g_dev = jnp.take(query_enc_dev, ex_ids, axis=0)
    g_test = jnp.take(query_enc_test, ex_ids, axis=0)
    s = split[:, None]
    out = jnp.where(s == 0, g_train, jnp.where(s == 1, g_dev, g_test))
    return out

if __name__ == "__main__":
    import jax
    _d = setup_inputs()
    print(jax.jit(kernel)(*tuple(_d.values())))

</pallas_src>

<mosaic_0001>
#map = affine_map<(d0, d1) -> (0, 0)>
#map1 = affine_map<(d0, d1) -> (0)>
module attributes {stable_mosaic.version = 14 : i64} {
  func.func @_body(%arg0: i32, %arg1: i32, %arg2: memref<100000x128xf32, #tpu.memory_space<hbm>>, %arg3: memref<100000x128xf32, #tpu.memory_space<hbm>>, %arg4: memref<100000x128xf32, #tpu.memory_space<hbm>>, %arg5: memref<16384xi32, #tpu.memory_space<hbm>>, %arg6: memref<16384xi32, #tpu.memory_space<hbm>>, %arg7: memref<16384x128xf32, #tpu.memory_space<hbm>>, %arg8: memref<512xi32, #tpu.memory_space<vmem>>, %arg9: memref<512xi32, #tpu.memory_space<vmem>>, %arg10: memref<560xi32, #tpu.memory_space<vmem>>, %arg11: memref<35x16xi32, #tpu.memory_space<vmem>>, %arg12: memref<560x128xf32, #tpu.memory_space<vmem>>, %arg13: memref<!tpu.dma_semaphore, #tpu.memory_space<semaphore_mem>>, %arg14: memref<!tpu.dma_semaphore, #tpu.memory_space<semaphore_mem>>) attributes {dimension_semantics = [#tpu.dimension_semantics<core_parallel>, #tpu.dimension_semantics<subcore_parallel>], iteration_bounds = array<i64: 2, 16>, scalar_prefetch = 0 : i64, scratch_operands = 7 : i64, tpu.core_type = #tpu.core_type<sc_vector_subcore>, window_params = [{transform_indices = #map}, {transform_indices = #map}, {transform_indices = #map}, {transform_indices = #map1}, {transform_indices = #map1}, {transform_indices = #map}]} {
    %mul3A = arith.constant 2 : i32
    %mul3A_0 = arith.muli %arg1, %mul3A : i32
    %add3A = arith.addi %mul3A_0, %arg0 : i32
    %mul3A_1 = arith.constant 512 : i32
    %mul3A_2 = arith.muli %add3A, %mul3A_1 : i32
    "tpu.region"() ({
      %run_scoped3A = tpu.sem_alloc : memref<!tpu.dma_semaphore, #tpu.memory_space<semaphore_mem>>
      %dma_start3A = tpu.memref_slice %arg5[%mul3A_2] : memref<16384xi32, #tpu.memory_space<hbm>> -> memref<512xi32, #tpu.memory_space<hbm>>
      %dma_start3A_359 = tpu.memref_slice %arg5[%mul3A_2] : memref<16384xi32, #tpu.memory_space<hbm>> -> memref<512xi32, #tpu.memory_space<hbm>>
      tpu.enqueue_dma source(%dma_start3A_359 : memref<512xi32, #tpu.memory_space<hbm>>) target(%arg8 : memref<512xi32, #tpu.memory_space<vmem>>) target_semaphore(%run_scoped3A : memref<!tpu.dma_semaphore, #tpu.memory_space<semaphore_mem>>)
      %dma_wait3A = tpu.memref_slice %arg5[%mul3A_2] : memref<16384xi32, #tpu.memory_space<hbm>> -> memref<512xi32, #tpu.memory_space<hbm>>
      %dma_wait3A_360 = tpu.memref_slice %arg5[%mul3A_2] : memref<16384xi32, #tpu.memory_space<hbm>> -> memref<512xi32, #tpu.memory_space<hbm>>
      tpu.wait_dma2 semaphore(%run_scoped3A : memref<!tpu.dma_semaphore, #tpu.memory_space<semaphore_mem>>) src(%dma_wait3A_360 : memref<512xi32, #tpu.memory_space<hbm>>) dst(%arg8 : memref<512xi32, #tpu.memory_space<vmem>>)
      tpu.yield
    }) : () -> ()
    "tpu.region"() ({
      %run_scoped3A = tpu.sem_alloc : memref<!tpu.dma_semaphore, #tpu.memory_space<semaphore_mem>>
      %dma_start3A = tpu.memref_slice %arg6[%mul3A_2] : memref<16384xi32, #tpu.memory_space<hbm>> -> memref<512xi32, #tpu.memory_space<hbm>>
      %dma_start3A_359 = tpu.memref_slice %arg6[%mul3A_2] : memref<16384xi32, #tpu.memory_space<hbm>> -> memref<512xi32, #tpu.memory_space<hbm>>
      tpu.enqueue_dma source(%dma_start3A_359 : memref<512xi32, #tpu.memory_space<hbm>>) target(%arg9 : memref<512xi32, #tpu.memory_space<vmem>>) target_semaphore(%run_scoped3A : memref<!tpu.dma_semaphore, #tpu.memory_space<semaphore_mem>>)
      %dma_wait3A = tpu.memref_slice %arg6[%mul3A_2] : memref<16384xi32, #tpu.memory_space<hbm>> -> memref<512xi32, #tpu.memory_space<hbm>>
      %dma_wait3A_360 = tpu.memref_slice %arg6[%mul3A_2] : memref<16384xi32, #tpu.memory_space<hbm>> -> memref<512xi32, #tpu.memory_space<hbm>>
      tpu.wait_dma2 semaphore(%run_scoped3A : memref<!tpu.dma_semaphore, #tpu.memory_space<semaphore_mem>>) src(%dma_wait3A_360 : memref<512xi32, #tpu.memory_space<hbm>>) dst(%arg9 : memref<512xi32, #tpu.memory_space<vmem>>)
      tpu.yield
    }) : () -> ()
    %iota3A = tpu.iota {dimensions = array<i32: 0>} : vector<16xi32>
    %broadcast_in_dim3A = arith.constant 0 : i32
    %broadcast_in_dim3A_3 = vector.broadcast %broadcast_in_dim3A : i32 to vector<16xi32>
    %scan3A = arith.constant 0 : i32
    %scan3A_4 = arith.constant 32 : i32
    %scan3A_5 = arith.addi %scan3A, %scan3A_4 : i32
    %scan3A_6 = arith.constant 1 : i32
    %scan3A_7:2 = scf.for %scan3A_359 = %scan3A to %scan3A_5 step %scan3A_6 iter_args(%scan3A_360 = %broadcast_in_dim3A_3, %scan3A_361 = %broadcast_in_dim3A_3) -> (vector<16xi32>, vector<16xi32>)  : i32 {
      %mul3A_362 = arith.constant 16 : i32
      %mul3A_363 = arith.muli %scan3A_359, %mul3A_362 : i32
      %get3A_364 = arith.index_cast %mul3A_363 : i32 to index
      %get3A_365 = tpu.vector_load %arg9[%get3A_364] {strides = array<i32>} : memref<512xi32, #tpu.memory_space<vmem>>, vector<16xi32>,
      %eq3A = arith.constant 0 : i32
      %eq3A_366 = vector.broadcast %eq3A : i32 to vector<16xi32>
      %eq3A_367 = arith.cmpi eq, %get3A_365, %eq3A_366 : vector<16xi32>
      %convert_element_type3A = arith.extui %eq3A_367 : vector<16xi1> to vector<16xi32>
      %add3A_368 = arith.addi %scan3A_360, %convert_element_type3A : vector<16xi32>
      %eq3A_369 = arith.constant 1 : i32
      %eq3A_370 = vector.broadcast %eq3A_369 : i32 to vector<16xi32>
      %eq3A_371 = arith.cmpi eq, %get3A_365, %eq3A_370 : vector<16xi32>
      %convert_element_type3A_372 = arith.extui %eq3A_371 : vector<16xi1> to vector<16xi32>
      %add3A_373 = arith.addi %scan3A_361, %convert_element_type3A_372 : vector<16xi32>
      scf.yield %add3A_368, %add3A_373 : vector<16xi32>, vector<16xi32>
    }
    %scan3A_8 = arith.constant 32 : i32
    %reduce_sum3A = arith.constant true
    %reduce_sum3A_9 = vector.broadcast %reduce_sum3A : i1 to vector<16xi1>
    %reduce_sum3A_10 = tpu.scan <sum>, %scan3A_7#0 masked %reduce_sum3A_9 : vector<16xi32>, vector<16xi1> -> vector<16xi32>
    %reduce_sum3A_11 = vector.extract %reduce_sum3A_10[15] : i32 from vector<16xi32>
    %reduce_sum3A_12 = arith.constant true
    %reduce_sum3A_13 = vector.broadcast %reduce_sum3A_12 : i1 to vector<16xi1>
    %reduce_sum3A_14 = tpu.scan <sum>, %scan3A_7#1 masked %reduce_sum3A_13 : vector<16xi32>, vector<16xi1> -> vector<16xi32>
    %reduce_sum3A_15 = vector.extract %reduce_sum3A_14[15] : i32 from vector<16xi32>
    %sub3A = arith.constant 512 : i32
    %sub3A_16 = arith.subi %sub3A, %reduce_sum3A_11 : i32
    %sub3A_17 = arith.subi %sub3A_16, %reduce_sum3A_15 : i32
    %add3A_18 = arith.constant 16 : i32
    %add3A_19 = arith.addi %reduce_sum3A_11, %add3A_18 : i32
    %sub3A_20 = arith.constant 1 : i32
    %sub3A_21 = arith.subi %add3A_19, %sub3A_20 : i32
    %and3A = arith.constant -16 : i32
    %and3A_22 = arith.andi %sub3A_21, %and3A : i32
    %add3A_23 = arith.constant 16 : i32
    %add3A_24 = arith.addi %reduce_sum3A_15, %add3A_23 : i32
    %sub3A_25 = arith.constant 1 : i32
    %sub3A_26 = arith.subi %add3A_24, %sub3A_25 : i32
    %and3A_27 = arith.constant -16 : i32
    %and3A_28 = arith.andi %sub3A_26, %and3A_27 : i32
    %add3A_29 = arith.addi %and3A_22, %and3A_28 : i32
    %add3A_30 = arith.constant 16 : i32
    %add3A_31 = arith.addi %sub3A_17, %add3A_30 : i32
    %sub3A_32 = arith.constant 1 : i32
    %sub3A_33 = arith.subi %add3A_31, %sub3A_32 : i32
    %and3A_34 = arith.constant -16 : i32
    %and3A_35 = arith.andi %sub3A_33, %and3A_34 : i32
    %add3A_36 = arith.addi %add3A_29, %and3A_35 : i32
    %scan3A_37 = arith.constant 0 : i32
    %scan3A_38 = arith.constant 0 : i32
    %scan3A_39 = arith.constant 32 : i32
    %scan3A_40 = arith.addi %scan3A_38, %scan3A_39 : i32
    %scan3A_41 = arith.constant 1 : i32
    %scan3A_42:3 = scf.for %scan3A_359 = %scan3A_38 to %scan3A_40 step %scan3A_41 iter_args(%scan3A_360 = %scan3A_37, %scan3A_361 = %and3A_22, %scan3A_362 = %add3A_29) -> (i32, i32, i32)  : i32 {
      %mul3A_363 = arith.constant 16 : i32
      %mul3A_364 = arith.muli %scan3A_359, %mul3A_363 : i32
      %get3A_365 = arith.index_cast %mul3A_364 : i32 to index
      %get3A_366 = tpu.vector_load %arg9[%get3A_365] {strides = array<i32>} : memref<512xi32, #tpu.memory_space<vmem>>, vector<16xi32>,
      %mul3A_367 = arith.constant 16 : i32
      %mul3A_368 = arith.muli %scan3A_359, %mul3A_367 : i32
      %get3A_369 = arith.index_cast %mul3A_368 : i32 to index
      %get3A_370 = tpu.vector_load %arg8[%get3A_369] {strides = array<i32>} : memref<512xi32, #tpu.memory_space<vmem>>, vector<16xi32>,
      %mul3A_371 = arith.constant 16 : i32
      %mul3A_372 = arith.muli %scan3A_359, %mul3A_371 : i32
      %add3A_373 = arith.addi %mul3A_2, %mul3A_372 : i32
      %add3A_374 = vector.broadcast %add3A_373 : i32 to vector<16xi32>
      %add3A_375 = arith.addi %add3A_374, %iota3A : vector<16xi32>
      %eq3A = arith.constant 0 : i32
      %eq3A_376 = vector.broadcast %eq3A : i32 to vector<16xi32>
      %eq3A_377 = arith.cmpi eq, %get3A_366, %eq3A_376 : vector<16xi32>
      %convert_element_type3A = arith.extui %eq3A_377 : vector<16xi1> to vector<16xi32>
      %eq3A_378 = arith.constant 1 : i32
      %eq3A_379 = vector.broadcast %eq3A_378 : i32 to vector<16xi32>
      %eq3A_380 = arith.cmpi eq, %get3A_366, %eq3A_379 : vector<16xi32>
      %convert_element_type3A_381 = arith.extui %eq3A_380 : vector<16xi1> to vector<16xi32>
      %eq3A_382 = arith.constant 2 : i32
      %eq3A_383 = vector.broadcast %eq3A_382 : i32 to vector<16xi32>
      %eq3A_384 = arith.cmpi eq, %get3A_366, %eq3A_383 : vector<16xi32>
      %convert_element_type3A_385 = arith.extui %eq3A_384 : vector<16xi1> to vector<16xi32>
      %broadcast_in_dim3A_386 = arith.constant true
      %broadcast_in_dim3A_387 = vector.broadcast %broadcast_in_dim3A_386 : i1 to vector<16xi1>
      %masked_cumsum3A = tpu.scan <sum>, %convert_element_type3A masked %broadcast_in_dim3A_387 : vector<16xi32>, vector<16xi1> -> vector<16xi32>
      %broadcast_in_dim3A_388 = arith.constant true
      %broadcast_in_dim3A_389 = vector.broadcast %broadcast_in_dim3A_388 : i1 to vector<16xi1>
      %masked_cumsum3A_390 = tpu.scan <sum>, %convert_element_type3A_381 masked %broadcast_in_dim3A_389 : vector<16xi32>, vector<16xi1> -> vector<16xi32>
      %broadcast_in_dim3A_391 = arith.constant true
      %broadcast_in_dim3A_392 = vector.broadcast %broadcast_in_dim3A_391 : i1 to vector<16xi1>
      %masked_cumsum3A_393 = tpu.scan <sum>, %convert_element_type3A_385 masked %broadcast_in_dim3A_392 : vector<16xi32>, vector<16xi1> -> vector<16xi32>
      %add3A_394 = vector.broadcast %scan3A_360 : i32 to vector<16xi32>
      %add3A_395 = arith.addi %add3A_394, %masked_cumsum3A : vector<16xi32>
      %sub3A_396 = arith.constant 1 : i32
      %sub3A_397 = vector.broadcast %sub3A_396 : i32 to vector<16xi32>
      %sub3A_398 = arith.subi %add3A_395, %sub3A_397 : vector<16xi32>
      %mul3A_399 = arith.muli %convert_element_type3A, %sub3A_398 : vector<16xi32>
      %add3A_400 = vector.broadcast %scan3A_361 : i32 to vector<16xi32>
      %add3A_401 = arith.addi %add3A_400, %masked_cumsum3A_390 : vector<16xi32>
      %sub3A_402 = arith.constant 1 : i32
      %sub3A_403 = vector.broadcast %sub3A_402 : i32 to vector<16xi32>
      %sub3A_404 = arith.subi %add3A_401, %sub3A_403 : vector<16xi32>
      %mul3A_405 = arith.muli %convert_element_type3A_381, %sub3A_404 : vector<16xi32>
      %add3A_406 = arith.addi %mul3A_399, %mul3A_405 : vector<16xi32>
      %add3A_407 = vector.broadcast %scan3A_362 : i32 to vector<16xi32>
      %add3A_408 = arith.addi %add3A_407, %masked_cumsum3A_393 : vector<16xi32>
      %sub3A_409 = arith.constant 1 : i32
      %sub3A_410 = vector.broadcast %sub3A_409 : i32 to vector<16xi32>
      %sub3A_411 = arith.subi %add3A_408, %sub3A_410 : vector<16xi32>
      %mul3A_412 = arith.muli %convert_element_type3A_385, %sub3A_411 : vector<16xi32>
      %add3A_413 = arith.addi %add3A_406, %mul3A_412 : vector<16xi32>
      tpu.vector_store_idx %arg10[%add3A_413], %get3A_370 : memref<560xi32, #tpu.memory_space<vmem>>[vector<16xi32>], vector<16xi32>,
      %shift_right_arithmetic3A_414 = arith.constant 4 : i32
      %shift_right_arithmetic3A_415 = vector.broadcast %shift_right_arithmetic3A_414 : i32 to vector<16xi32>
      %shift_right_arithmetic3A_416 = arith.shrsi %add3A_413, %shift_right_arithmetic3A_415 : vector<16xi32>
      %and3A_417 = arith.constant 15 : i32
      %and3A_418 = vector.broadcast %and3A_417 : i32 to vector<16xi32>
      %and3A_419 = arith.andi %add3A_413, %and3A_418 : vector<16xi32>
      tpu.vector_store_idx %arg11[%shift_right_arithmetic3A_416, %and3A_419], %add3A_375 : memref<35x16xi32, #tpu.memory_space<vmem>>[vector<16xi32>, vector<16xi32>], vector<16xi32>,
      %slice3A_420 = vector.extract_strided_slice %masked_cumsum3A {offsets = [15], sizes = [1], strides = [1]} : vector<16xi32> to vector<1xi32>
      %squeeze3A_421 = vector.extract %slice3A_420[0] : i32 from vector<1xi32>
      %add3A_422 = arith.addi %scan3A_360, %squeeze3A_421 : i32
      %slice3A_423 = vector.extract_strided_slice %masked_cumsum3A_390 {offsets = [15], sizes = [1], strides = [1]} : vector<16xi32> to vector<1xi32>
      %squeeze3A_424 = vector.extract %slice3A_423[0] : i32 from vector<1xi32>
      %add3A_425 = arith.addi %scan3A_361, %squeeze3A_424 : i32
      %slice3A_426 = vector.extract_strided_slice %masked_cumsum3A_393 {offsets = [15], sizes = [1], strides = [1]} : vector<16xi32> to vector<1xi32>
      %squeeze3A_427 = vector.extract %slice3A_426[0] : i32 from vector<1xi32>
      %add3A_428 = arith.addi %scan3A_362, %squeeze3A_427 : i32
      scf.yield %add3A_422, %add3A_425, %add3A_428 : i32, i32, i32
    }
    %scan3A_43 = arith.constant 32 : i32
    %get3A = arith.constant 0 : i32
    %get3A_44 = arith.index_cast %get3A : i32 to index
    %get3A_45 = tpu.vector_load %arg10[%get3A_44] {strides = array<i32>} : memref<560xi32, #tpu.memory_space<vmem>>, vector<16xi32>,
    %slice3A = vector.extract_strided_slice %get3A_45 {offsets = [0], sizes = [1], strides = [1]} : vector<16xi32> to vector<1xi32>
    %squeeze3A = vector.extract %slice3A[0] : i32 from vector<1xi32>
    %shift_right_arithmetic3A = arith.constant 0 : i32
    %shift_right_arithmetic3A_46 = arith.constant 4 : i32
    %shift_right_arithmetic3A_47 = arith.shrsi %shift_right_arithmetic3A, %shift_right_arithmetic3A_46 : i32
    %get3A_48 = arith.index_cast %shift_right_arithmetic3A_47 : i32 to index
    %get3A_49 = arith.constant 0 : index
    %get3A_50 = tpu.vector_load %arg11[%get3A_48, %get3A_49] {strides = array<i32>} : memref<35x16xi32, #tpu.memory_space<vmem>>, vector<16xi32>,
    %slice3A_51 = vector.extract_strided_slice %get3A_50 {offsets = [0], sizes = [1], strides = [1]} : vector<16xi32> to vector<1xi32>
    %squeeze3A_52 = vector.extract %slice3A_51[0] : i32 from vector<1xi32>
    %broadcast_in_dim3A_53 = vector.broadcast %squeeze3A : i32 to vector<16xi32>
    %broadcast_in_dim3A_54 = vector.broadcast %squeeze3A_52 : i32 to vector<16xi32>
    %add3A_55 = arith.constant 0 : i32
    %add3A_56 = arith.addi %scan3A_42#0, %add3A_55 : i32
    %add3A_57 = vector.broadcast %add3A_56 : i32 to vector<16xi32>
    %add3A_58 = arith.addi %add3A_57, %iota3A : vector<16xi32>
    %lt3A = vector.broadcast %and3A_22 : i32 to vector<16xi32>
    %lt3A_59 = arith.cmpi slt, %add3A_58, %lt3A : vector<16xi32>
    tpu.vector_store_idx %arg10[%add3A_58], %broadcast_in_dim3A_53 masked %lt3A_59 : memref<560xi32, #tpu.memory_space<vmem>>[vector<16xi32>], vector<16xi32>, vector<16xi1>
    %shift_right_arithmetic3A_60 = arith.constant 4 : i32
    %shift_right_arithmetic3A_61 = vector.broadcast %shift_right_arithmetic3A_60 : i32 to vector<16xi32>
    %shift_right_arithmetic3A_62 = arith.shrsi %add3A_58, %shift_right_arithmetic3A_61 : vector<16xi32>
    %and3A_63 = arith.constant 15 : i32
    %and3A_64 = vector.broadcast %and3A_63 : i32 to vector<16xi32>
    %and3A_65 = arith.andi %add3A_58, %and3A_64 : vector<16xi32>
    tpu.vector_store_idx %arg11[%shift_right_arithmetic3A_62, %and3A_65], %broadcast_in_dim3A_54 masked %lt3A_59 : memref<35x16xi32, #tpu.memory_space<vmem>>[vector<16xi32>, vector<16xi32>], vector<16xi32>, vector<16xi1>
    %get3A_66 = arith.index_cast %and3A_22 : i32 to index
    %get3A_67 = tpu.vector_load %arg10[%get3A_66] {strides = array<i32>} : memref<560xi32, #tpu.memory_space<vmem>>, vector<16xi32>,
    %slice3A_68 = vector.extract_strided_slice %get3A_67 {offsets = [0], sizes = [1], strides = [1]} : vector<16xi32> to vector<1xi32>
    %squeeze3A_69 = vector.extract %slice3A_68[0] : i32 from vector<1xi32>
    %shift_right_arithmetic3A_70 = arith.constant 4 : i32
    %shift_right_arithmetic3A_71 = arith.shrsi %and3A_22, %shift_right_arithmetic3A_70 : i32
    %get3A_72 = arith.index_cast %shift_right_arithmetic3A_71 : i32 to index
    %get3A_73 = arith.constant 0 : index
    %get3A_74 = tpu.vector_load %arg11[%get3A_72, %get3A_73] {strides = array<i32>} : memref<35x16xi32, #tpu.memory_space<vmem>>, vector<16xi32>,
    %slice3A_75 = vector.extract_strided_slice %get3A_74 {offsets = [0], sizes = [1], strides = [1]} : vector<16xi32> to vector<1xi32>
    %squeeze3A_76 = vector.extract %slice3A_75[0] : i32 from vector<1xi32>
    %broadcast_in_dim3A_77 = vector.broadcast %squeeze3A_69 : i32 to vector<16xi32>
    %broadcast_in_dim3A_78 = vector.broadcast %squeeze3A_76 : i32 to vector<16xi32>
    %add3A_79 = arith.constant 0 : i32
    %add3A_80 = arith.addi %scan3A_42#1, %add3A_79 : i32
    %add3A_81 = vector.broadcast %add3A_80 : i32 to vector<16xi32>
    %add3A_82 = arith.addi %add3A_81, %iota3A : vector<16xi32>
    %lt3A_83 = vector.broadcast %add3A_29 : i32 to vector<16xi32>
    %lt3A_84 = arith.cmpi slt, %add3A_82, %lt3A_83 : vector<16xi32>
    tpu.vector_store_idx %arg10[%add3A_82], %broadcast_in_dim3A_77 masked %lt3A_84 : memref<560xi32, #tpu.memory_space<vmem>>[vector<16xi32>], vector<16xi32>, vector<16xi1>
    %shift_right_arithmetic3A_85 = arith.constant 4 : i32
    %shift_right_arithmetic3A_86 = vector.broadcast %shift_right_arithmetic3A_85 : i32 to vector<16xi32>
    %shift_right_arithmetic3A_87 = arith.shrsi %add3A_82, %shift_right_arithmetic3A_86 : vector<16xi32>
    %and3A_88 = arith.constant 15 : i32
    %and3A_89 = vector.broadcast %and3A_88 : i32 to vector<16xi32>
    %and3A_90 = arith.andi %add3A_82, %and3A_89 : vector<16xi32>
    tpu.vector_store_idx %arg11[%shift_right_arithmetic3A_87, %and3A_90], %broadcast_in_dim3A_78 masked %lt3A_84 : memref<35x16xi32, #tpu.memory_space<vmem>>[vector<16xi32>, vector<16xi32>], vector<16xi32>, vector<16xi1>
    %get3A_91 = arith.index_cast %add3A_29 : i32 to index
    %get3A_92 = tpu.vector_load %arg10[%get3A_91] {strides = array<i32>} : memref<560xi32, #tpu.memory_space<vmem>>, vector<16xi32>,
    %slice3A_93 = vector.extract_strided_slice %get3A_92 {offsets = [0], sizes = [1], strides = [1]} : vector<16xi32> to vector<1xi32>
    %squeeze3A_94 = vector.extract %slice3A_93[0] : i32 from vector<1xi32>
    %shift_right_arithmetic3A_95 = arith.constant 4 : i32
    %shift_right_arithmetic3A_96 = arith.shrsi %add3A_29, %shift_right_arithmetic3A_95 : i32
    %get3A_97 = arith.index_cast %shift_right_arithmetic3A_96 : i32 to index
    %get3A_98 = arith.constant 0 : index
    %get3A_99 = tpu.vector_load %arg11[%get3A_97, %get3A_98] {strides = array<i32>} : memref<35x16xi32, #tpu.memory_space<vmem>>, vector<16xi32>,
    %slice3A_100 = vector.extract_strided_slice %get3A_99 {offsets = [0], sizes = [1], strides = [1]} : vector<16xi32> to vector<1xi32>
    %squeeze3A_101 = vector.extract %slice3A_100[0] : i32 from vector<1xi32>
    %broadcast_in_dim3A_102 = vector.broadcast %squeeze3A_94 : i32 to vector<16xi32>
    %broadcast_in_dim3A_103 = vector.broadcast %squeeze3A_101 : i32 to vector<16xi32>
    %add3A_104 = arith.constant 0 : i32
    %add3A_105 = arith.addi %scan3A_42#2, %add3A_104 : i32
    %add3A_106 = vector.broadcast %add3A_105 : i32 to vector<16xi32>
    %add3A_107 = arith.addi %add3A_106, %iota3A : vector<16xi32>
    %lt3A_108 = vector.broadcast %add3A_36 : i32 to vector<16xi32>
    %lt3A_109 = arith.cmpi slt, %add3A_107, %lt3A_108 : vector<16xi32>
    tpu.vector_store_idx %arg10[%add3A_107], %broadcast_in_dim3A_102 masked %lt3A_109 : memref<560xi32, #tpu.memory_space<vmem>>[vector<16xi32>], vector<16xi32>, vector<16xi1>
    %shift_right_arithmetic3A_110 = arith.constant 4 : i32
    %shift_right_arithmetic3A_111 = vector.broadcast %shift_right_arithmetic3A_110 : i32 to vector<16xi32>
    %shift_right_arithmetic3A_112 = arith.shrsi %add3A_107, %shift_right_arithmetic3A_111 : vector<16xi32>
    %and3A_113 = arith.constant 15 : i32
    %and3A_114 = vector.broadcast %and3A_113 : i32 to vector<16xi32>
    %and3A_115 = arith.andi %add3A_107, %and3A_114 : vector<16xi32>
    tpu.vector_store_idx %arg11[%shift_right_arithmetic3A_112, %and3A_115], %broadcast_in_dim3A_103 masked %lt3A_109 : memref<35x16xi32, #tpu.memory_space<vmem>>[vector<16xi32>, vector<16xi32>], vector<16xi32>, vector<16xi1>
    %jit3A = arith.constant 16 : i32
    %div3A = arith.divsi %and3A_22, %jit3A : i32
    %sign3A = arith.constant 0 : i32
    %sign3A_116 = arith.cmpi sgt, %and3A_22, %sign3A : i32
    %sign3A_117 = arith.extui %sign3A_116 : i1 to i32
    %sign3A_118 = arith.constant 0 : i32
    %sign3A_119 = arith.cmpi slt, %and3A_22, %sign3A_118 : i32
    %sign3A_120 = arith.extui %sign3A_119 : i1 to i32
    %sign3A_121 = arith.subi %sign3A_117, %sign3A_120 : i32
    %sign3A_122 = arith.constant 0 : i32
    %sign3A_123 = arith.cmpi sgt, %jit3A, %sign3A_122 : i32
    %sign3A_124 = arith.extui %sign3A_123 : i1 to i32
    %sign3A_125 = arith.constant 0 : i32
    %sign3A_126 = arith.cmpi slt, %jit3A, %sign3A_125 : i32
    %sign3A_127 = arith.extui %sign3A_126 : i1 to i32
    %sign3A_128 = arith.subi %sign3A_124, %sign3A_127 : i32
    %ne3A = arith.cmpi ne, %sign3A_121, %sign3A_128 : i32
    %rem3A = arith.remsi %and3A_22, %jit3A : i32
    %ne3A_129 = arith.constant 0 : i32
    %ne3A_130 = arith.cmpi ne, %rem3A, %ne3A_129 : i32
    %and3A_131 = arith.andi %ne3A, %ne3A_130 : i1
    %sub3A_132 = arith.constant 1 : i32
    %sub3A_133 = arith.subi %div3A, %sub3A_132 : i32
    %select_n3A = arith.select %and3A_131, %sub3A_133, %div3A : i32
    %jit3A_134 = arith.constant 16 : i32
    %div3A_135 = arith.divsi %and3A_22, %jit3A_134 : i32
    %sign3A_136 = arith.constant 0 : i32
    %sign3A_137 = arith.cmpi sgt, %and3A_22, %sign3A_136 : i32
    %sign3A_138 = arith.extui %sign3A_137 : i1 to i32
    %sign3A_139 = arith.constant 0 : i32
    %sign3A_140 = arith.cmpi slt, %and3A_22, %sign3A_139 : i32
    %sign3A_141 = arith.extui %sign3A_140 : i1 to i32
    %sign3A_142 = arith.subi %sign3A_138, %sign3A_141 : i32
    %sign3A_143 = arith.constant 0 : i32
    %sign3A_144 = arith.cmpi sgt, %jit3A_134, %sign3A_143 : i32
    %sign3A_145 = arith.extui %sign3A_144 : i1 to i32
    %sign3A_146 = arith.constant 0 : i32
    %sign3A_147 = arith.cmpi slt, %jit3A_134, %sign3A_146 : i32
    %sign3A_148 = arith.extui %sign3A_147 : i1 to i32
    %sign3A_149 = arith.subi %sign3A_145, %sign3A_148 : i32
    %ne3A_150 = arith.cmpi ne, %sign3A_142, %sign3A_149 : i32
    %rem3A_151 = arith.remsi %and3A_22, %jit3A_134 : i32
    %ne3A_152 = arith.constant 0 : i32
    %ne3A_153 = arith.cmpi ne, %rem3A_151, %ne3A_152 : i32
    %and3A_154 = arith.andi %ne3A_150, %ne3A_153 : i1
    %sub3A_155 = arith.constant 1 : i32
    %sub3A_156 = arith.subi %div3A_135, %sub3A_155 : i32
    %select_n3A_157 = arith.select %and3A_154, %sub3A_156, %div3A_135 : i32
    %jit3A_158 = arith.constant 16 : i32
    %div3A_159 = arith.divsi %add3A_29, %jit3A_158 : i32
    %sign3A_160 = arith.constant 0 : i32
    %sign3A_161 = arith.cmpi sgt, %add3A_29, %sign3A_160 : i32
    %sign3A_162 = arith.extui %sign3A_161 : i1 to i32
    %sign3A_163 = arith.constant 0 : i32
    %sign3A_164 = arith.cmpi slt, %add3A_29, %sign3A_163 : i32
    %sign3A_165 = arith.extui %sign3A_164 : i1 to i32
    %sign3A_166 = arith.subi %sign3A_162, %sign3A_165 : i32
    %sign3A_167 = arith.constant 0 : i32
    %sign3A_168 = arith.cmpi sgt, %jit3A_158, %sign3A_167 : i32
    %sign3A_169 = arith.extui %sign3A_168 : i1 to i32
    %sign3A_170 = arith.constant 0 : i32
    %sign3A_171 = arith.cmpi slt, %jit3A_158, %sign3A_170 : i32
    %sign3A_172 = arith.extui %sign3A_171 : i1 to i32
    %sign3A_173 = arith.subi %sign3A_169, %sign3A_172 : i32
    %ne3A_174 = arith.cmpi ne, %sign3A_166, %sign3A_173 : i32
    %rem3A_175 = arith.remsi %add3A_29, %jit3A_158 : i32
    %ne3A_176 = arith.constant 0 : i32
    %ne3A_177 = arith.cmpi ne, %rem3A_175, %ne3A_176 : i32
    %and3A_178 = arith.andi %ne3A_174, %ne3A_177 : i1
    %sub3A_179 = arith.constant 1 : i32
    %sub3A_180 = arith.subi %div3A_159, %sub3A_179 : i32
    %select_n3A_181 = arith.select %and3A_178, %sub3A_180, %div3A_159 : i32
    %jit3A_182 = arith.constant 16 : i32
    %div3A_183 = arith.divsi %add3A_29, %jit3A_182 : i32
    %sign3A_184 = arith.constant 0 : i32
    %sign3A_185 = arith.cmpi sgt, %add3A_29, %sign3A_184 : i32
    %sign3A_186 = arith.extui %sign3A_185 : i1 to i32
    %sign3A_187 = arith.constant 0 : i32
    %sign3A_188 = arith.cmpi slt, %add3A_29, %sign3A_187 : i32
    %sign3A_189 = arith.extui %sign3A_188 : i1 to i32
    %sign3A_190 = arith.subi %sign3A_186, %sign3A_189 : i32
    %sign3A_191 = arith.constant 0 : i32
    %sign3A_192 = arith.cmpi sgt, %jit3A_182, %sign3A_191 : i32
    %sign3A_193 = arith.extui %sign3A_192 : i1 to i32
    %sign3A_194 = arith.constant 0 : i32
    %sign3A_195 = arith.cmpi slt, %jit3A_182, %sign3A_194 : i32
    %sign3A_196 = arith.extui %sign3A_195 : i1 to i32
    %sign3A_197 = arith.subi %sign3A_193, %sign3A_196 : i32
    %ne3A_198 = arith.cmpi ne, %sign3A_190, %sign3A_197 : i32
    %rem3A_199 = arith.remsi %add3A_29, %jit3A_182 : i32
    %ne3A_200 = arith.constant 0 : i32
    %ne3A_201 = arith.cmpi ne, %rem3A_199, %ne3A_200 : i32
    %and3A_202 = arith.andi %ne3A_198, %ne3A_201 : i1
    %sub3A_203 = arith.constant 1 : i32
    %sub3A_204 = arith.subi %div3A_183, %sub3A_203 : i32
    %select_n3A_205 = arith.select %and3A_202, %sub3A_204, %div3A_183 : i32
    %jit3A_206 = arith.constant 16 : i32
    %div3A_207 = arith.divsi %add3A_36, %jit3A_206 : i32
    %sign3A_208 = arith.constant 0 : i32
    %sign3A_209 = arith.cmpi sgt, %add3A_36, %sign3A_208 : i32
    %sign3A_210 = arith.extui %sign3A_209 : i1 to i32
    %sign3A_211 = arith.constant 0 : i32
    %sign3A_212 = arith.cmpi slt, %add3A_36, %sign3A_211 : i32
    %sign3A_213 = arith.extui %sign3A_212 : i1 to i32
    %sign3A_214 = arith.subi %sign3A_210, %sign3A_213 : i32
    %sign3A_215 = arith.constant 0 : i32
    %sign3A_216 = arith.cmpi sgt, %jit3A_206, %sign3A_215 : i32
    %sign3A_217 = arith.extui %sign3A_216 : i1 to i32
    %sign3A_218 = arith.constant 0 : i32
    %sign3A_219 = arith.cmpi slt, %jit3A_206, %sign3A_218 : i32
    %sign3A_220 = arith.extui %sign3A_219 : i1 to i32
    %sign3A_221 = arith.subi %sign3A_217, %sign3A_220 : i32
    %ne3A_222 = arith.cmpi ne, %sign3A_214, %sign3A_221 : i32
    %rem3A_223 = arith.remsi %add3A_36, %jit3A_206 : i32
    %ne3A_224 = arith.constant 0 : i32
    %ne3A_225 = arith.cmpi ne, %rem3A_223, %ne3A_224 : i32
    %and3A_226 = arith.andi %ne3A_222, %ne3A_225 : i1
    %sub3A_227 = arith.constant 1 : i32
    %sub3A_228 = arith.subi %div3A_207, %sub3A_227 : i32
    %select_n3A_229 = arith.select %and3A_226, %sub3A_228, %div3A_207 : i32
    %while3A = arith.constant 0 : i32
    %while3A_230 = arith.constant 0 : i32
    %while3A_231 = arith.subi %select_n3A, %while3A_230 : i32
    %while3A_232 = arith.addi %while3A_230, %while3A_231 : i32
    %while3A_233 = arith.constant 1 : i32
    %while3A_234 = arith.divsi %while3A_231, %while3A_233 : i32
    %while3A_235 = arith.muli %while3A_234, %while3A_233 : i32
    %while3A_236 = arith.addi %while3A_230, %while3A_235 : i32
    %while3A_237 = arith.constant 1 : i32
    scf.for %while3A_359 = %while3A_230 to %while3A_236 step %while3A_237  : i32 {
      %mul3A_360 = arith.constant 16 : i32
      %mul3A_361 = arith.muli %while3A_359, %mul3A_360 : i32
      %mul3A_362 = arith.constant 16 : i32
      %mul3A_363 = arith.muli %while3A_359, %mul3A_362 : i32
      %dma_start3A = arith.constant 0 : i32
      %dma_start3A_364 = tpu.memref_slice %arg12[%mul3A_363, %dma_start3A] : memref<560x128xf32, #tpu.memory_space<vmem>> -> memref<16x128xf32, #tpu.memory_space<vmem>>
      %dma_start3A_365 = tpu.memref_slice %arg10[%mul3A_361] : memref<560xi32, #tpu.memory_space<vmem>> -> memref<16xi32, #tpu.memory_space<vmem>>
      %dma_start3A_366 = arith.constant 0 : i32
      %dma_start3A_367 = arith.constant 0 : i32
      %dma_start3A_368 = tpu.memref_slice %arg2[%dma_start3A_366, %dma_start3A_367] : memref<100000x128xf32, #tpu.memory_space<hbm>> -> memref<100000x128xf32, #tpu.memory_space<hbm>>
      tpu.enqueue_indirect_dma source(%dma_start3A_368 : memref<100000x128xf32, #tpu.memory_space<hbm>>) target(%dma_start3A_364 : memref<16x128xf32, #tpu.memory_space<vmem>>) offsets(%dma_start3A_365 : memref<16xi32, #tpu.memory_space<vmem>>) semaphore(%arg13 : memref<!tpu.dma_semaphore, #tpu.memory_space<semaphore_mem>>)
    }
    %while3A_238 = arith.constant 1 : i32
    scf.for %while3A_359 = %while3A_236 to %while3A_232 step %while3A_238  : i32 {
      %mul3A_360 = arith.constant 16 : i32
      %mul3A_361 = arith.muli %while3A_359, %mul3A_360 : i32
      %mul3A_362 = arith.constant 16 : i32
      %mul3A_363 = arith.muli %while3A_359, %mul3A_362 : i32
      %dma_start3A = arith.constant 0 : i32
      %dma_start3A_364 = tpu.memref_slice %arg12[%mul3A_363, %dma_start3A] : memref<560x128xf32, #tpu.memory_space<vmem>> -> memref<16x128xf32, #tpu.memory_space<vmem>>
      %dma_start3A_365 = tpu.memref_slice %arg10[%mul3A_361] : memref<560xi32, #tpu.memory_space<vmem>> -> memref<16xi32, #tpu.memory_space<vmem>>
      %dma_start3A_366 = arith.constant 0 : i32
      %dma_start3A_367 = arith.constant 0 : i32
      %dma_start3A_368 = tpu.memref_slice %arg2[%dma_start3A_366, %dma_start3A_367] : memref<100000x128xf32, #tpu.memory_space<hbm>> -> memref<100000x128xf32, #tpu.memory_space<hbm>>
      tpu.enqueue_indirect_dma source(%dma_start3A_368 : memref<100000x128xf32, #tpu.memory_space<hbm>>) target(%dma_start3A_364 : memref<16x128xf32, #tpu.memory_space<vmem>>) offsets(%dma_start3A_365 : memref<16xi32, #tpu.memory_space<vmem>>) semaphore(%arg13 : memref<!tpu.dma_semaphore, #tpu.memory_space<semaphore_mem>>)
    }
    %while3A_239 = arith.constant 0 : i32
    %while3A_240 = arith.subi %select_n3A_181, %select_n3A_157 : i32
    %while3A_241 = arith.addi %select_n3A_157, %while3A_240 : i32
    %while3A_242 = arith.constant 1 : i32
    %while3A_243 = arith.divsi %while3A_240, %while3A_242 : i32
    %while3A_244 = arith.muli %while3A_243, %while3A_242 : i32
    %while3A_245 = arith.addi %select_n3A_157, %while3A_244 : i32
    %while3A_246 = arith.constant 1 : i32
    scf.for %while3A_359 = %select_n3A_157 to %while3A_245 step %while3A_246  : i32 {
      %mul3A_360 = arith.constant 16 : i32
      %mul3A_361 = arith.muli %while3A_359, %mul3A_360 : i32
      %mul3A_362 = arith.constant 16 : i32
      %mul3A_363 = arith.muli %while3A_359, %mul3A_362 : i32
      %dma_start3A = arith.constant 0 : i32
      %dma_start3A_364 = tpu.memref_slice %arg12[%mul3A_363, %dma_start3A] : memref<560x128xf32, #tpu.memory_space<vmem>> -> memref<16x128xf32, #tpu.memory_space<vmem>>
      %dma_start3A_365 = tpu.memref_slice %arg10[%mul3A_361] : memref<560xi32, #tpu.memory_space<vmem>> -> memref<16xi32, #tpu.memory_space<vmem>>
      %dma_start3A_366 = arith.constant 0 : i32
      %dma_start3A_367 = arith.constant 0 : i32
      %dma_start3A_368 = tpu.memref_slice %arg3[%dma_start3A_366, %dma_start3A_367] : memref<100000x128xf32, #tpu.memory_space<hbm>> -> memref<100000x128xf32, #tpu.memory_space<hbm>>
      tpu.enqueue_indirect_dma source(%dma_start3A_368 : memref<100000x128xf32, #tpu.memory_space<hbm>>) target(%dma_start3A_364 : memref<16x128xf32, #tpu.memory_space<vmem>>) offsets(%dma_start3A_365 : memref<16xi32, #tpu.memory_space<vmem>>) semaphore(%arg13 : memref<!tpu.dma_semaphore, #tpu.memory_space<semaphore_mem>>)
    }
    %while3A_247 = arith.constant 1 : i32
    scf.for %while3A_359 = %while3A_245 to %while3A_241 step %while3A_247  : i32 {
      %mul3A_360 = arith.constant 16 : i32
      %mul3A_361 = arith.muli %while3A_359, %mul3A_360 : i32
      %mul3A_362 = arith.constant 16 : i32
      %mul3A_363 = arith.muli %while3A_359, %mul3A_362 : i32
      %dma_start3A = arith.constant 0 : i32
      %dma_start3A_364 = tpu.memref_slice %arg12[%mul3A_363, %dma_start3A] : memref<560x128xf32, #tpu.memory_space<vmem>> -> memref<16x128xf32, #tpu.memory_space<vmem>>
      %dma_start3A_365 = tpu.memref_slice %arg10[%mul3A_361] : memref<560xi32, #tpu.memory_space<vmem>> -> memref<16xi32, #tpu.memory_space<vmem>>
      %dma_start3A_366 = arith.constant 0 : i32
      %dma_start3A_367 = arith.constant 0 : i32
      %dma_start3A_368 = tpu.memref_slice %arg3[%dma_start3A_366, %dma_start3A_367] : memref<100000x128xf32, #tpu.memory_space<hbm>> -> memref<100000x128xf32, #tpu.memory_space<hbm>>
      tpu.enqueue_indirect_dma source(%dma_start3A_368 : memref<100000x128xf32, #tpu.memory_space<hbm>>) target(%dma_start3A_364 : memref<16x128xf32, #tpu.memory_space<vmem>>) offsets(%dma_start3A_365 : memref<16xi32, #tpu.memory_space<vmem>>) semaphore(%arg13 : memref<!tpu.dma_semaphore, #tpu.memory_space<semaphore_mem>>)
    }
    %while3A_248 = arith.constant 0 : i32
    %while3A_249 = arith.subi %select_n3A_229, %select_n3A_205 : i32
    %while3A_250 = arith.addi %select_n3A_205, %while3A_249 : i32
    %while3A_251 = arith.constant 1 : i32
    %while3A_252 = arith.divsi %while3A_249, %while3A_251 : i32
    %while3A_253 = arith.muli %while3A_252, %while3A_251 : i32
    %while3A_254 = arith.addi %select_n3A_205, %while3A_253 : i32
    %while3A_255 = arith.constant 1 : i32
    scf.for %while3A_359 = %select_n3A_205 to %while3A_254 step %while3A_255  : i32 {
      %mul3A_360 = arith.constant 16 : i32
      %mul3A_361 = arith.muli %while3A_359, %mul3A_360 : i32
      %mul3A_362 = arith.constant 16 : i32
      %mul3A_363 = arith.muli %while3A_359, %mul3A_362 : i32
      %dma_start3A = arith.constant 0 : i32
      %dma_start3A_364 = tpu.memref_slice %arg12[%mul3A_363, %dma_start3A] : memref<560x128xf32, #tpu.memory_space<vmem>> -> memref<16x128xf32, #tpu.memory_space<vmem>>
      %dma_start3A_365 = tpu.memref_slice %arg10[%mul3A_361] : memref<560xi32, #tpu.memory_space<vmem>> -> memref<16xi32, #tpu.memory_space<vmem>>
      %dma_start3A_366 = arith.constant 0 : i32
      %dma_start3A_367 = arith.constant 0 : i32
      %dma_start3A_368 = tpu.memref_slice %arg4[%dma_start3A_366, %dma_start3A_367] : memref<100000x128xf32, #tpu.memory_space<hbm>> -> memref<100000x128xf32, #tpu.memory_space<hbm>>
      tpu.enqueue_indirect_dma source(%dma_start3A_368 : memref<100000x128xf32, #tpu.memory_space<hbm>>) target(%dma_start3A_364 : memref<16x128xf32, #tpu.memory_space<vmem>>) offsets(%dma_start3A_365 : memref<16xi32, #tpu.memory_space<vmem>>) semaphore(%arg13 : memref<!tpu.dma_semaphore, #tpu.memory_space<semaphore_mem>>)
    }
    %while3A_256 = arith.constant 1 : i32
    scf.for %while3A_359 = %while3A_254 to %while3A_250 step %while3A_256  : i32 {
      %mul3A_360 = arith.constant 16 : i32
      %mul3A_361 = arith.muli %while3A_359, %mul3A_360 : i32
      %mul3A_362 = arith.constant 16 : i32
      %mul3A_363 = arith.muli %while3A_359, %mul3A_362 : i32
      %dma_start3A = arith.constant 0 : i32
      %dma_start3A_364 = tpu.memref_slice %arg12[%mul3A_363, %dma_start3A] : memref<560x128xf32, #tpu.memory_space<vmem>> -> memref<16x128xf32, #tpu.memory_space<vmem>>
      %dma_start3A_365 = tpu.memref_slice %arg10[%mul3A_361] : memref<560xi32, #tpu.memory_space<vmem>> -> memref<16xi32, #tpu.memory_space<vmem>>
      %dma_start3A_366 = arith.constant 0 : i32
      %dma_start3A_367 = arith.constant 0 : i32
      %dma_start3A_368 = tpu.memref_slice %arg4[%dma_start3A_366, %dma_start3A_367] : memref<100000x128xf32, #tpu.memory_space<hbm>> -> memref<100000x128xf32, #tpu.memory_space<hbm>>
      tpu.enqueue_indirect_dma source(%dma_start3A_368 : memref<100000x128xf32, #tpu.memory_space<hbm>>) target(%dma_start3A_364 : memref<16x128xf32, #tpu.memory_space<vmem>>) offsets(%dma_start3A_365 : memref<16xi32, #tpu.memory_space<vmem>>) semaphore(%arg13 : memref<!tpu.dma_semaphore, #tpu.memory_space<semaphore_mem>>)
    }
    %jit3A_257 = arith.constant 16 : i32
    %div3A_258 = arith.divsi %add3A_36, %jit3A_257 : i32
    %sign3A_259 = arith.constant 0 : i32
    %sign3A_260 = arith.cmpi sgt, %add3A_36, %sign3A_259 : i32
    %sign3A_261 = arith.extui %sign3A_260 : i1 to i32
    %sign3A_262 = arith.constant 0 : i32
    %sign3A_263 = arith.cmpi slt, %add3A_36, %sign3A_262 : i32
    %sign3A_264 = arith.extui %sign3A_263 : i1 to i32
    %sign3A_265 = arith.subi %sign3A_261, %sign3A_264 : i32
    %sign3A_266 = arith.constant 0 : i32
    %sign3A_267 = arith.cmpi sgt, %jit3A_257, %sign3A_266 : i32
    %sign3A_268 = arith.extui %sign3A_267 : i1 to i32
    %sign3A_269 = arith.constant 0 : i32
    %sign3A_270 = arith.cmpi slt, %jit3A_257, %sign3A_269 : i32
    %sign3A_271 = arith.extui %sign3A_270 : i1 to i32
    %sign3A_272 = arith.subi %sign3A_268, %sign3A_271 : i32
    %ne3A_273 = arith.cmpi ne, %sign3A_265, %sign3A_272 : i32
    %rem3A_274 = arith.remsi %add3A_36, %jit3A_257 : i32
    %ne3A_275 = arith.constant 0 : i32
    %ne3A_276 = arith.cmpi ne, %rem3A_274, %ne3A_275 : i32
    %and3A_277 = arith.andi %ne3A_273, %ne3A_276 : i1
    %sub3A_278 = arith.constant 1 : i32
    %sub3A_279 = arith.subi %div3A_258, %sub3A_278 : i32
    %select_n3A_280 = arith.select %and3A_277, %sub3A_279, %div3A_258 : i32
    %while3A_281 = arith.constant 0 : i32
    %while3A_282 = arith.constant 0 : i32
    %while3A_283 = arith.subi %select_n3A_280, %while3A_282 : i32
    %while3A_284 = arith.addi %while3A_282, %while3A_283 : i32
    %while3A_285 = arith.constant 1 : i32
    %while3A_286 = arith.divsi %while3A_283, %while3A_285 : i32
    %while3A_287 = arith.muli %while3A_286, %while3A_285 : i32
    %while3A_288 = arith.addi %while3A_282, %while3A_287 : i32
    %while3A_289 = arith.constant 1 : i32
    scf.for %while3A_359 = %while3A_282 to %while3A_288 step %while3A_289  : i32 {
      %dma_wait3A = arith.constant 0 : i32
      %dma_wait3A_360 = arith.constant 0 : i32
      %dma_wait3A_361 = tpu.memref_slice %arg12[%dma_wait3A, %dma_wait3A_360] : memref<560x128xf32, #tpu.memory_space<vmem>> -> memref<16x128xf32, #tpu.memory_space<vmem>>
      %dma_wait3A_362 = arith.constant 0 : i32
      %dma_wait3A_363 = tpu.memref_slice %arg10[%dma_wait3A_362] : memref<560xi32, #tpu.memory_space<vmem>> -> memref<16xi32, #tpu.memory_space<vmem>>
      %dma_wait3A_364 = arith.constant 0 : i32
      %dma_wait3A_365 = arith.constant 0 : i32
      %dma_wait3A_366 = tpu.memref_slice %arg2[%dma_wait3A_364, %dma_wait3A_365] : memref<100000x128xf32, #tpu.memory_space<hbm>> -> memref<100000x128xf32, #tpu.memory_space<hbm>>
      tpu.wait_indirect_dma semaphore(%arg13 : memref<!tpu.dma_semaphore, #tpu.memory_space<semaphore_mem>>) src(%dma_wait3A_366 : memref<100000x128xf32, #tpu.memory_space<hbm>>) dst(%dma_wait3A_361 : memref<16x128xf32, #tpu.memory_space<vmem>>)
    }
    %while3A_290 = arith.constant 1 : i32
    scf.for %while3A_359 = %while3A_288 to %while3A_284 step %while3A_290  : i32 {
      %dma_wait3A = arith.constant 0 : i32
      %dma_wait3A_360 = arith.constant 0 : i32
      %dma_wait3A_361 = tpu.memref_slice %arg12[%dma_wait3A, %dma_wait3A_360] : memref<560x128xf32, #tpu.memory_space<vmem>> -> memref<16x128xf32, #tpu.memory_space<vmem>>
      %dma_wait3A_362 = arith.constant 0 : i32
      %dma_wait3A_363 = tpu.memref_slice %arg10[%dma_wait3A_362] : memref<560xi32, #tpu.memory_space<vmem>> -> memref<16xi32, #tpu.memory_space<vmem>>
      %dma_wait3A_364 = arith.constant 0 : i32
      %dma_wait3A_365 = arith.constant 0 : i32
      %dma_wait3A_366 = tpu.memref_slice %arg2[%dma_wait3A_364, %dma_wait3A_365] : memref<100000x128xf32, #tpu.memory_space<hbm>> -> memref<100000x128xf32, #tpu.memory_space<hbm>>
      tpu.wait_indirect_dma semaphore(%arg13 : memref<!tpu.dma_semaphore, #tpu.memory_space<semaphore_mem>>) src(%dma_wait3A_366 : memref<100000x128xf32, #tpu.memory_space<hbm>>) dst(%dma_wait3A_361 : memref<16x128xf32, #tpu.memory_space<vmem>>)
    }
    %jit3A_291 = arith.constant 16 : i32
    %div3A_292 = arith.divsi %add3A_36, %jit3A_291 : i32
    %sign3A_293 = arith.constant 0 : i32
    %sign3A_294 = arith.cmpi sgt, %add3A_36, %sign3A_293 : i32
    %sign3A_295 = arith.extui %sign3A_294 : i1 to i32
    %sign3A_296 = arith.constant 0 : i32
    %sign3A_297 = arith.cmpi slt, %add3A_36, %sign3A_296 : i32
    %sign3A_298 = arith.extui %sign3A_297 : i1 to i32
    %sign3A_299 = arith.subi %sign3A_295, %sign3A_298 : i32
    %sign3A_300 = arith.constant 0 : i32
    %sign3A_301 = arith.cmpi sgt, %jit3A_291, %sign3A_300 : i32
    %sign3A_302 = arith.extui %sign3A_301 : i1 to i32
    %sign3A_303 = arith.constant 0 : i32
    %sign3A_304 = arith.cmpi slt, %jit3A_291, %sign3A_303 : i32
    %sign3A_305 = arith.extui %sign3A_304 : i1 to i32
    %sign3A_306 = arith.subi %sign3A_302, %sign3A_305 : i32
    %ne3A_307 = arith.cmpi ne, %sign3A_299, %sign3A_306 : i32
    %rem3A_308 = arith.remsi %add3A_36, %jit3A_291 : i32
    %ne3A_309 = arith.constant 0 : i32
    %ne3A_310 = arith.cmpi ne, %rem3A_308, %ne3A_309 : i32
    %and3A_311 = arith.andi %ne3A_307, %ne3A_310 : i1
    %sub3A_312 = arith.constant 1 : i32
    %sub3A_313 = arith.subi %div3A_292, %sub3A_312 : i32
    %select_n3A_314 = arith.select %and3A_311, %sub3A_313, %div3A_292 : i32
    %while3A_315 = arith.constant 0 : i32
    %while3A_316 = arith.constant 0 : i32
    %while3A_317 = arith.subi %select_n3A_314, %while3A_316 : i32
    %while3A_318 = arith.addi %while3A_316, %while3A_317 : i32
    %while3A_319 = arith.constant 1 : i32
    %while3A_320 = arith.divsi %while3A_317, %while3A_319 : i32
    %while3A_321 = arith.muli %while3A_320, %while3A_319 : i32
    %while3A_322 = arith.addi %while3A_316, %while3A_321 : i32
    %while3A_323 = arith.constant 1 : i32
    scf.for %while3A_359 = %while3A_316 to %while3A_322 step %while3A_323  : i32 {
      %mul3A_360 = arith.constant 16 : i32
      %mul3A_361 = arith.muli %while3A_359, %mul3A_360 : i32
      %dma_start3A = arith.constant 0 : i32
      %dma_start3A_362 = tpu.memref_slice %arg12[%mul3A_361, %dma_start3A] : memref<560x128xf32, #tpu.memory_space<vmem>> -> memref<16x128xf32, #tpu.memory_space<vmem>>
      %dma_start3A_363 = arith.constant 0 : i32
      %dma_start3A_364 = tpu.memref_slice %arg11[%while3A_359, %dma_start3A_363] : memref<35x16xi32, #tpu.memory_space<vmem>> -> memref<1x16xi32, #tpu.memory_space<vmem>>
      %dma_start3A_365 = tpu.memref_squeeze %dma_start3A_364 : memref<1x16xi32, #tpu.memory_space<vmem>> -> memref<16xi32, #tpu.memory_space<vmem>>
      %dma_start3A_366 = arith.constant 0 : i32
      %dma_start3A_367 = arith.constant 0 : i32
      %dma_start3A_368 = tpu.memref_slice %arg7[%dma_start3A_366, %dma_start3A_367] : memref<16384x128xf32, #tpu.memory_space<hbm>> -> memref<16384x128xf32, #tpu.memory_space<hbm>>
      tpu.enqueue_indirect_dma source(%dma_start3A_362 : memref<16x128xf32, #tpu.memory_space<vmem>>) target(%dma_start3A_368 : memref<16384x128xf32, #tpu.memory_space<hbm>>) offsets(%dma_start3A_365 : memref<16xi32, #tpu.memory_space<vmem>>) semaphore(%arg14 : memref<!tpu.dma_semaphore, #tpu.memory_space<semaphore_mem>>)
    }
    %while3A_324 = arith.constant 1 : i32
    scf.for %while3A_359 = %while3A_322 to %while3A_318 step %while3A_324  : i32 {
      %mul3A_360 = arith.constant 16 : i32
      %mul3A_361 = arith.muli %while3A_359, %mul3A_360 : i32
      %dma_start3A = arith.constant 0 : i32
      %dma_start3A_362 = tpu.memref_slice %arg12[%mul3A_361, %dma_start3A] : memref<560x128xf32, #tpu.memory_space<vmem>> -> memref<16x128xf32, #tpu.memory_space<vmem>>
      %dma_start3A_363 = arith.constant 0 : i32
      %dma_start3A_364 = tpu.memref_slice %arg11[%while3A_359, %dma_start3A_363] : memref<35x16xi32, #tpu.memory_space<vmem>> -> memref<1x16xi32, #tpu.memory_space<vmem>>
      %dma_start3A_365 = tpu.memref_squeeze %dma_start3A_364 : memref<1x16xi32, #tpu.memory_space<vmem>> -> memref<16xi32, #tpu.memory_space<vmem>>
      %dma_start3A_366 = arith.constant 0 : i32
      %dma_start3A_367 = arith.constant 0 : i32
      %dma_start3A_368 = tpu.memref_slice %arg7[%dma_start3A_366, %dma_start3A_367] : memref<16384x128xf32, #tpu.memory_space<hbm>> -> memref<16384x128xf32, #tpu.memory_space<hbm>>
      tpu.enqueue_indirect_dma source(%dma_start3A_362 : memref<16x128xf32, #tpu.memory_space<vmem>>) target(%dma_start3A_368 : memref<16384x128xf32, #tpu.memory_space<hbm>>) offsets(%dma_start3A_365 : memref<16xi32, #tpu.memory_space<vmem>>) semaphore(%arg14 : memref<!tpu.dma_semaphore, #tpu.memory_space<semaphore_mem>>)
    }
    %jit3A_325 = arith.constant 16 : i32
    %div3A_326 = arith.divsi %add3A_36, %jit3A_325 : i32
    %sign3A_327 = arith.constant 0 : i32
    %sign3A_328 = arith.cmpi sgt, %add3A_36, %sign3A_327 : i32
    %sign3A_329 = arith.extui %sign3A_328 : i1 to i32
    %sign3A_330 = arith.constant 0 : i32
    %sign3A_331 = arith.cmpi slt, %add3A_36, %sign3A_330 : i32
    %sign3A_332 = arith.extui %sign3A_331 : i1 to i32
    %sign3A_333 = arith.subi %sign3A_329, %sign3A_332 : i32
    %sign3A_334 = arith.constant 0 : i32
    %sign3A_335 = arith.cmpi sgt, %jit3A_325, %sign3A_334 : i32
    %sign3A_336 = arith.extui %sign3A_335 : i1 to i32
    %sign3A_337 = arith.constant 0 : i32
    %sign3A_338 = arith.cmpi slt, %jit3A_325, %sign3A_337 : i32
    %sign3A_339 = arith.extui %sign3A_338 : i1 to i32
    %sign3A_340 = arith.subi %sign3A_336, %sign3A_339 : i32
    %ne3A_341 = arith.cmpi ne, %sign3A_333, %sign3A_340 : i32
    %rem3A_342 = arith.remsi %add3A_36, %jit3A_325 : i32
    %ne3A_343 = arith.constant 0 : i32
    %ne3A_344 = arith.cmpi ne, %rem3A_342, %ne3A_343 : i32
    %and3A_345 = arith.andi %ne3A_341, %ne3A_344 : i1
    %sub3A_346 = arith.constant 1 : i32
    %sub3A_347 = arith.subi %div3A_326, %sub3A_346 : i32
    %select_n3A_348 = arith.select %and3A_345, %sub3A_347, %div3A_326 : i32
    %while3A_349 = arith.constant 0 : i32
    %while3A_350 = arith.constant 0 : i32
    %while3A_351 = arith.subi %select_n3A_348, %while3A_350 : i32
    %while3A_352 = arith.addi %while3A_350, %while3A_351 : i32
    %while3A_353 = arith.constant 1 : i32
    %while3A_354 = arith.divsi %while3A_351, %while3A_353 : i32
    %while3A_355 = arith.muli %while3A_354, %while3A_353 : i32
    %while3A_356 = arith.addi %while3A_350, %while3A_355 : i32
    %while3A_357 = arith.constant 1 : i32
    scf.for %while3A_359 = %while3A_350 to %while3A_356 step %while3A_357  : i32 {
      %dma_wait3A = arith.constant 0 : i32
      %dma_wait3A_360 = arith.constant 0 : i32
      %dma_wait3A_361 = arith.constant 0 : i32
      %dma_wait3A_362 = tpu.memref_slice %arg12[%dma_wait3A_360, %dma_wait3A_361] : memref<560x128xf32, #tpu.memory_space<vmem>> -> memref<16x128xf32, #tpu.memory_space<vmem>>
      %dma_wait3A_363 = arith.constant 0 : i32
      %dma_wait3A_364 = tpu.memref_slice %arg11[%dma_wait3A, %dma_wait3A_363] : memref<35x16xi32, #tpu.memory_space<vmem>> -> memref<1x16xi32, #tpu.memory_space<vmem>>
      %dma_wait3A_365 = tpu.memref_squeeze %dma_wait3A_364 : memref<1x16xi32, #tpu.memory_space<vmem>> -> memref<16xi32, #tpu.memory_space<vmem>>
      %dma_wait3A_366 = arith.constant 0 : i32
      %dma_wait3A_367 = arith.constant 0 : i32
      %dma_wait3A_368 = tpu.memref_slice %arg7[%dma_wait3A_366, %dma_wait3A_367] : memref<16384x128xf32, #tpu.memory_space<hbm>> -> memref<16384x128xf32, #tpu.memory_space<hbm>>
      tpu.wait_indirect_dma semaphore(%arg14 : memref<!tpu.dma_semaphore, #tpu.memory_space<semaphore_mem>>) src(%dma_wait3A_362 : memref<16x128xf32, #tpu.memory_space<vmem>>) dst(%dma_wait3A_368 : memref<16384x128xf32, #tpu.memory_space<hbm>>)
    }
    %while3A_358 = arith.constant 1 : i32
    scf.for %while3A_359 = %while3A_356 to %while3A_352 step %while3A_358  : i32 {
      %dma_wait3A = arith.constant 0 : i32
      %dma_wait3A_360 = arith.constant 0 : i32
      %dma_wait3A_361 = arith.constant 0 : i32
      %dma_wait3A_362 = tpu.memref_slice %arg12[%dma_wait3A_360, %dma_wait3A_361] : memref<560x128xf32, #tpu.memory_space<vmem>> -> memref<16x128xf32, #tpu.memory_space<vmem>>
      %dma_wait3A_363 = arith.constant 0 : i32
      %dma_wait3A_364 = tpu.memref_slice %arg11[%dma_wait3A, %dma_wait3A_363] : memref<35x16xi32, #tpu.memory_space<vmem>> -> memref<1x16xi32, #tpu.memory_space<vmem>>
      %dma_wait3A_365 = tpu.memref_squeeze %dma_wait3A_364 : memref<1x16xi32, #tpu.memory_space<vmem>> -> memref<16xi32, #tpu.memory_space<vmem>>
      %dma_wait3A_366 = arith.constant 0 : i32
      %dma_wait3A_367 = arith.constant 0 : i32
      %dma_wait3A_368 = tpu.memref_slice %arg7[%dma_wait3A_366, %dma_wait3A_367] : memref<16384x128xf32, #tpu.memory_space<hbm>> -> memref<16384x128xf32, #tpu.memory_space<hbm>>
      tpu.wait_indirect_dma semaphore(%arg14 : memref<!tpu.dma_semaphore, #tpu.memory_space<semaphore_mem>>) src(%dma_wait3A_362 : memref<16x128xf32, #tpu.memory_space<vmem>>) dst(%dma_wait3A_368 : memref<16384x128xf32, #tpu.memory_space<hbm>>)
    }
    return
  }
}

</mosaic_0001>

<sc_bundles>
// kernel: _run.3.cloned.1.call-start
scs
__scs_entry_jumppad:
0x0: {  	(pc) =	sbr.rel $0x88, $3  }
0x1: {  	(tag) =	ssettag $0x0;
	lr =	simm.s32 $0x1  }
0x2: {  	[smem:$0x3F9C] =	sst lr;
	_ =	strace $0xD0000000  }
0x3: {  	_ = 	snop  }
0x4: {  	_ = 	snop  }
0x5: {  	_ = 	snop  }
0x6: {  	_ = 	snop  }
0x7: {  	_ = 	snop  }
__scs_overlays_trampoline_lowered:
0x8: {  	[smem:$0x3FAB] =	sst s0  }
0x9: {  	[smem:$0x3FAC] =	sst s1  }
0xa: {  	[smem:$0x3FAD] =	sst s2  }
0xb: {  	[smem:$0x3FAE] =	sst s3  }
0xc: {  	[smem:$0x3FAF] =	sst s4  }
0xd: {  	[smem:$0x3FB0] =	sst s5  }
0xe: {  	[smem:$0x3FB1] =	sst s6  }
0xf: {  	[smem:$0x3FB2] =	sst s7  }
0x10: {  	[smem:$0x3FB3] =	sst s8  }
0x11: {  	[smem:$0x3FB4] =	sst s9;
	s0 =	simm.s32 @!p0 $0x0  }
0x12: {  	s1 =	sld [smem:$0x3F9A];
	s0 =	simm.s32 @p0 $0x1  }
0x13: {  	[smem:$0x3FB5] =	sst s0;
	s0 =	simm.s32 @!p1 $0x0  }
0x14: {  	s2 =	sld [smem:$0x3F99];
	s0 =	simm.s32 @p1 $0x1  }
0x15: {  	[smem:$0x3FB6] =	sst s0;
	s0 =	simm.s32 @!p2 $0x0  }
0x16: {  	s3 =	sld [smem:$0x3FDB];
	s0 =	simm.s32 @p2 $0x1  }
0x17: {  	s4 =	simm.s32 $0x1BF5;
	[smem:$0x3FB8] =	sst s0  }
0x18: {  	s0 =	sld [smem:$0x3F9B];
	_ =	swait.ge [sflag:s4], $0x0  }
0x19: {  	s7 =	sld [smem:$0x3F9C]  }
0x1a: {  	s8 =	sadd.s32 $0xFFFFE003, lr  }
0x1b: {  	s9 =	sadd.s32 $0xFFFFFEF7, lr;
	s5 =	simm.s32 $0xFFFFFFFF;
	p2 =	slt.u32 s8, $0xFFFFF086  }
0x1c: {  	p1 =	slt.u32 s9, $0xF7A;
	s5 =	simm.s32 @!p2 $0x0  }
0x1d: {  	s5 =	simm.s32 @p1 $0x1;
	p0 =	seq.s32 s7, s2  }
0x1e: {  	s7 =	smul.u32 @!p0 $0xF7A, s2;
	p2 =	seq.s32 @!p0 s5, $0x0  }
0x1f: {  	s9 =	smul.u32 $0xF7A, s1;
	s8 =	simm.s32 @!p0 $0x1BF5;
	p2 =	por !p2, p0  }
0x20: {  	[sflag:s8] =	ssyncset.s32 @!p0 $0xFFFFF086;
	s6 =	sadd.s32 @!p0 s3, s7;
	s7 =	simm.s32 @!p0 $0x108  }
0x21: {  	s3 =	sadd.s32 s3, s9;
	s6 =	sadd.s32 @!p0 $0x88, s6;
	s7 =	simm.s32 @p2 $0x1082  }
0x22: {  	[simem:s7], [sflag:s8] =	dma.local @!p0 [hbm:s6], $0xF7A  }
0x23: {  	s9 =	sor.u32 $0xD0000000, s2;
	s6 =	simm.s32 $0x108;
	_ =	swait.ge @!p0 [sflag:s8], $0x0  }
0x24: {  	s3 =	sadd.s32 $0x88, s3;
	s6 =	simm.s32 @!p1 $0x1082;
	[sflag:s4] =	ssyncset.s32 $0xFFFFF086  }
0x25: {  	[simem:s6], [sflag:s4] =	dma.local [hbm:s3], $0xF7A  }
0x26: {  	[smem:$0x3F9C] =	sst s1;
	(tag) =	ssettag s2;
	_ =	strace s9  }
0x27: {  	s1 =	sld [smem:$0x3FAC]  }
0x28: {  	s2 =	sld [smem:$0x3FAD]  }
0x29: {  	s4 =	sld [smem:$0x3FAF]  }
0x2a: {  	p0 =	seq.s32 s5, $0x0;
	s5 =	sld [smem:$0x3FB0]  }
0x2b: {  	s6 =	sld [smem:$0x3FB1]  }
0x2c: {  	s7 =	sld [smem:$0x3FB2]  }
0x2d: {  	s3 =	simm.s32 $0x108;
	s8 =	sld [smem:$0x3FB3]  }
0x2e: {  	s3 =	simm.s32 @!p0 $0x1082;
	s9 =	sld [smem:$0x3FB4]  }
0x2f: {  	lr =	sadd.s32 s0, s3;
	s0 =	sld [smem:$0x3FAB]  }
0x30: {  	s3 =	sld [smem:$0x3FAE]  }
0x31: {  	[smem:$0x3FB7] =	sst s10  }
0x32: {  	s10 =	sld [smem:$0x3FB5];
	_ =	sdelay $0x3  }
0x33: {  	p0 =	seq.s32 s10, $0x1;
	s10 =	sld [smem:$0x3FB7];
	_ =	sdelay $0x3  }
0x34: {  	[smem:$0x3FB7] =	sst s10  }
0x35: {  	s10 =	sld [smem:$0x3FB6];
	_ =	sdelay $0x3  }
0x36: {  	p1 =	seq.s32 s10, $0x1;
	s10 =	sld [smem:$0x3FB7];
	_ =	sdelay $0x3  }
0x37: {  	[smem:$0x3FB7] =	sst s10  }
0x38: {  	s10 =	sld [smem:$0x3FB8]  }
0x39: {  	_ = 	snop;
	(pc) =	sbr.ind lr, $3  }
0x3a: {  	_ = 	snop  }
0x3b: {  	_ = 	snop  }
0x3c: {  	p2 =	seq.s32 s10, $0x1;
	s10 =	sld [smem:$0x3FB7]  }
0x3d: {  	_ =	shalt  }
0x3e: {  	_ =	shalt  }
0x3f: {  	_ =	shalt  }
0x40: {  	_ =	shalt  }
0x41: {  	_ =	shalt  }
0x42: {  	_ =	shalt  }
0x43: {  	_ =	shalt  }
0x44: {  	_ =	shalt  }
0x45: {  	_ =	shalt  }
0x46: {  	_ =	shalt  }
0x47: {  	_ =	shalt  }
0x48: {  	_ =	shalt  }
0x49: {  	_ =	shalt  }
0x4a: {  	_ =	shalt  }
0x4b: {  	_ =	shalt  }
0x4c: {  	_ =	shalt  }
0x4d: {  	_ =	shalt  }
0x4e: {  	_ =	shalt  }
0x4f: {  	_ =	shalt  }
0x50: {  	_ =	shalt  }
0x51: {  	_ =	shalt  }
0x52: {  	_ =	shalt  }
0x53: {  	_ =	shalt  }
0x54: {  	_ =	shalt  }
0x55: {  	_ =	shalt  }
0x56: {  	_ =	shalt  }
0x57: {  	_ =	shalt  }
0x58: {  	_ =	shalt  }
0x59: {  	_ =	shalt  }
0x5a: {  	_ =	shalt  }
0x5b: {  	_ =	shalt  }
0x5c: {  	_ =	shalt  }
0x5d: {  	_ =	shalt  }
0x5e: {  	_ =	shalt  }
0x5f: {  	_ =	shalt  }
0x60: {  	_ =	shalt  }
0x61: {  	_ =	shalt  }
0x62: {  	_ =	shalt  }
0x63: {  	_ =	shalt  }
0x64: {  	_ =	shalt  }
0x65: {  	_ =	shalt  }
0x66: {  	_ =	shalt  }
0x67: {  	_ =	shalt  }
0x68: {  	_ =	shalt  }
0x69: {  	_ =	shalt  }
0x6a: {  	_ =	shalt  }
0x6b: {  	_ =	shalt  }
0x6c: {  	_ =	shalt  }
0x6d: {  	_ =	shalt  }
0x6e: {  	_ =	shalt  }
0x6f: {  	_ =	shalt  }
0x70: {  	_ =	shalt  }
0x71: {  	_ =	shalt  }
0x72: {  	_ =	shalt  }
0x73: {  	_ =	shalt  }
0x74: {  	_ =	shalt  }
0x75: {  	_ =	shalt  }
0x76: {  	_ =	shalt  }
0x77: {  	_ =	shalt  }
0x78: {  	_ =	shalt  }
0x79: {  	_ =	shalt  }
0x7a: {  	_ =	shalt  }
0x7b: {  	_ =	shalt  }
0x7c: {  	_ =	shalt  }
0x7d: {  	_ =	shalt  }
0x7e: {  	_ =	shalt  }
0x7f: {  	_ =	shalt  }
0x80: {  	_ =	shalt  }
0x81: {  	_ =	shalt  }
0x82: {  	_ =	shalt  }
0x83: {  	_ =	shalt  }
0x84: {  	_ =	shalt  }
0x85: {  	_ =	shalt  }
0x86: {  	_ =	shalt  }
0x87: {  	_ =	shalt  }
.Lfunc_end0:
.L_simem_size_0:
called_computation_lowered:
.L_overlay_start_0:
0x88: {  	s2 =	sld [smem:$0x3FD9]  }
0x89: {  	s3 =	sld [smem:$0x3FFE];
	_ =	sdelay $0x1  }
0x8a: {  	s1 =	srdreg.scid  }
0x8b: {  	s0 =	sand.u32 $0x1, s1  }
0x8c: {  	s18 =	sshll.u32 s0, $0xA;
	s2 =	sadd.s32 s3, s2  }
0x8d: {  	s2 =	sadd.s32 s2, s18  }
0x8e: {  	[smem:$0x3FC3] =	sst s2  }
0x8f: {  	_ = 	snop  }
0x90: {  	s2 =	sld [smem:$0x3FC9]  }
0x91: {  	s19 =	sld [smem:$0x3FC8]  }
0x92: {  	s4 =	sld [smem:$0x3FC7]  }
0x93: {  	s5 =	sld [smem:$0x3FC6]  }
0x94: {  	s6 =	sld [smem:$0x3FC5]  }
0x95: {  	s7 =	sld [smem:$0x3FD0];
	(tm) =	ssettm $0x1  }
0x96: {  	s8 =	sld [smem:$0x3FFB];
	_ =	sdelay $0x3  }
0x97: {  	_ =	strace s8  }
0x98: {  	s8 =	sld [smem:$0x3FFC];
	_ =	sdelay $0x3  }
0x99: {  	_ =	strace s8  }
0x9a: {  	s8 =	sld [smem:$0x3FFD];
	_ =	sdelay $0x3  }
0x9b: {  	_ =	strace s8  }
0x9c: {  	_ =	strace $0x8FFFFFFF  }
0x9d: {  	s20 =	sld [smem:$0x3FDB];
	_ =	sdelay $0x1  }
0x9e: {  	s9 =	simm.s32 $_scs_section_size  }
0x9f: {  	s10 =	simm.s32 $_size__tile_overlayer_lowered;
	s11 =	simm.s32 $_tile_overlayer_lowered  }
0xa0: {  	s23 =	simm.s32 $0x1BFF;
	s22 =	sshll.u32 s11, $0x1;
	s8 =	sadd.s32 s9, s20  }
0xa1: {  	s12 =	simm.s32 $0x0;
	s21 =	sshll.u32 s10, $0x1;
	s10 =	sadd.s32 s22, s8  }
0xa2: {  	[timem:s12], [sflag:s23] =	dma.local [hbm:s10], s21  }
0xa3: {  	_ =	swait.ge [sflag:s23], s21  }
0xa4: {  	s9 =	ssub.s32 $0x0, s21;
	[sflag:s23] =	ssyncset.done $0x0  }
0xa5: {  	[sflag:s23] =	ssyncadd.s32 s9;
	_ =	sdelay $0x1  }
0xa6: {  	s24 =	simm.s32 $0x1B8B  }
0xa7: {  	_ =	swait.ge [sflag:s24], $0x1  }
0xa8: {  	[sflag:s24] =	ssyncset.done $0x0  }
0xa9: {  	s25 =	simm.s32 $0x1B8E;
	[sflag:s24] =	ssyncadd.s32 $0xFFFFFFFF  }
0xaa: {  	s26 =	simm.s32 $execute0_lowered;
	[smem:$0x3FD2] =	sst s25  }
0xab: {  	s9 =	sshll.u32 s26, $0x1;
	_ =	strace $0x80000046;
	[dreg:$0x1] =	wrdreg $0xFFFFFFFF  }
0xac: {  	s28 =	simm.s32 $_size_execute0_lowered;
	s8 =	sadd.s32 s8, s9;
	[dreg:$0x0] =	wrdreg $0x0  }
0xad: {  	s9 =	sshll.u32 s28, $0x1;
	[dreg:$0x2] =	wrdreg s8  }
0xae: {  	[dreg:$0x3] =	wrdreg s9  }
0xaf: {  	[dreg:$0x4] =	wrdreg $0xC0  }
0xb0: {  	_ =	task [dreg:s12], $0x5FFFF  }
0xb1: {  	[dreg:$0x1] =	wrdreg $0xFFFFFFFF  }
0xb2: {  	[dreg:$0x0] =	wrdreg $0x60  }
0xb3: {  	[dreg:$0x2] =	wrdreg s2  }
0xb4: {  	[dreg:$0x3] =	wrdreg s19  }
0xb5: {  	[dreg:$0x4] =	wrdreg s4  }
0xb6: {  	[dreg:$0x5] =	wrdreg s5  }
0xb7: {  	[dreg:$0x6] =	wrdreg s6  }
0xb8: {  	[dreg:$0x7] =	wrdreg s7  }
0xb9: {  	[dreg:$0x8] =	wrdreg $0x9  }
0xba: {  	_ =	task.clear_ibuf [dreg:s12], $0x9FFFF;
	_ =	strace $0x90000046  }
0xbb: {  	s29 =	simm.s32 $0x9;
	_ =	strace $0x80000048  }
0xbc: {  	_ =	swait.ge [sflag:s29], $0x1  }
0xbd: {  	[sflag:s29] =	ssyncadd.s32 $0xFFFFFFFF  }
0xbe: {  	_ =	strace $0x90000048  }
0xbf: {  	_ =	sfence  }
0xc0: {  	s30 =	sld [smem:$0x0];
	_ =	sdelay $0x2  }
0xc1: {  	s31 =	sshll.u32 s1, $0xD;
	s1 =	sshrl.u32 s1, $0x2  }
0xc2: {  	s3 =	sand.u32 $0x4000, s31;
	s1 =	sadd.s32 s1, s30  }
0xc3: {  	s0 =	sor.u32 s3, s0;
	s1 =	sshll.u32 s1, $0x11  }
0xc4: {  	s0 =	sor.u32 s1, s0  }
0xc5: {  	s0 =	sadd.s32 $0x8F2B, s0  }
0xc6: {  	[sflag:s0] =	ssyncadd.remote.s32 $0x1  }
0xc7: {  	_ =	sfence.sel $0xFFFF  }
0xc8: {  	[dreg:$0x0] =	wrdreg $0xFFFFFFFF;
	(pc) =	sbr.abs _section_cstart, $3  }
0xc9: {  	[dreg:$0x1] =	wrdreg $0xFFFFFFFF  }
0xca: {  	_ =	task.clear_ibuf [dreg:s12], $0x2FFFF;
	_ =	strace $0x9FFFFFFF  }
0xcb: {  	(tm) =	ssettm $0x7FFFFFFF  }
tec
execute0_lowered:
.L_overlay_start_1:
0x0: {  	(tag) =	ssettag $0x1  }
0x1: {  	s0 =	rddreg [dreg:$0x0]  }
0x2: {  	s2 =	rddreg [dreg:$0x1]  }
0x3: {  	s3 =	rddreg [dreg:$0x2]  }
0x4: {  	s8 =	rddreg [dreg:$0x3]  }
0x5: {  	s9 =	rddreg [dreg:$0x4]  }
0x6: {  	s5 =	rddreg [dreg:$0x5];
	s6 =	srdreg.scid  }
0x7: {  	s4 =	stileid.u32;
	s13 =	simm.s32 $0x400;
	s14 =	simm.s32 $0x680  }
0x8: {  	s15 =	simm.s32 $0x10;
	s16 =	simm.s32 $0x1;
	s17 =	simm.s32 $0x2  }
0x9: {  	s18 =	simm.s32 $0x0;
	s7 =	sand.u32 $0x1, s6;
	s6 =	simm.s32 $0x0  }
.Ltmp0:
0xa: {  	s10 =	sshll.u32 s4, $0xA;
	s11 =	sshll.u32 s7, $0x9;
	(pc) =	sbr.rel .LBB2_1-.Ltmp0, $4  }
0xb: {  	[smem:$0x7FF] =	sst s6;
	s12 =	ssub.s32 $0x2, s7;
	s7 =	sor.u32 s11, s10  }
0xc: {  	_ =	strace $0x80000047;
	s31 =	sshrl.u32 s12, $0x1;
	s11 =	sshrl.u32 s7, $0x3  }
0xd: {  	s10 =	ssub.s32 s12, s31;
	s12 =	simm.s32 $0x200;
	s8 =	sadd.s32 s8, s11  }
0xe: {  	v0 =	vimm.s32 $0x0;
	v1 =	vlaneseq.u32;
	s9 =	sadd.s32 s9, s11;
	s10 =	smax.u32 s10, $0x1;
	s11 =	simm.s32 $0x3  }
.LBB2_18:
0xf: {  	[sflag:s17] =	ssyncadd.s32 $0xFFFFF800  }
.LBB2_19:
0x10: {  	s18 =	sadd.s32 $0x1, s18  }
0x11: {  	p0 =	sne.s32 s18, s10  }
.Ltmp1:
0x12: {  	_ = 	snop;
	(pc) =	sbr.rel @!p0 .LBB2_20-.Ltmp1, $1  }
0x13: {  	_ =	sdelay $0x3  }
.LBB2_1:
0x14: {  	[tilespmem:s6], [sflag:$0x3] =	stream.linear.gather [hbm4b:s8+s6], $0x200, $0x38;
	[tilespmem:$0x13280] =	vst v63  }
0x15: {  	_ =	swait.ge [sflag:s11], $0x200  }
0x16: {  	[sflag:s11] =	ssyncset.done $0x0  }
0x17: {  	[sflag:s11] =	ssyncadd.s32 $0xFFFFFE00  }
0x18: {  	[tilespmem:s12], [sflag:$0x3] =	stream.linear.gather [hbm4b:s9+s6], $0x200, $0x38;
	[tilespmem:$0x13280] =	vst v63  }
0x19: {  	_ =	swait.ge [sflag:s11], $0x200  }
0x1a: {  	[sflag:s11] =	ssyncset.done $0x0  }
0x1b: {  	s20 =	simm.s32 $0x0;
	[sflag:s11] =	ssyncadd.s32 $0xFFFFFE00  }
0x1c: {  	v4 =	vld [tilespmem:s20+$0x200]  }
0x1d: {  	s19 =	simm.s32 $0x40;
	v2 =	vimm.s32 $0x0;
	v3 =	vimm.s32 $0x0  }
.LBB2_2:
0x1e: {  	p0 =	sne.s32 s19, $0x7C0  }
.Ltmp2:
0x1f: {  	_ = 	snop;
	(pc) =	sbr.rel @p0 .LBB2_2-.Ltmp2, $4  }
0x20: {  	_ = 	snop  }
0x21: {  	s20 =	sshra.s32 s19, $0x2;
	s19 =	sadd.s32 $0x40, s19;
	vm0 =	veq.s32 v4, $0x0;
	vm1 =	veq.s32 v4, $0x1  }
0x22: {  	v4 =	vld [tilespmem:s20+$0x200];
	v5 =	vsel vm0, $0x1, v0;
	v6 =	vsel vm1, $0x1, v0  }
0x23: {  	v2 =	vadd.s32 v5, v2;
	v3 =	vadd.s32 v6, v3  }
0x24: {  	_ =	sdelay $0x2  }
0x25: {  	vm0 =	veq.s32 v4, $0x0  }
0x26: {  	vm1 =	veq.s32 v4, $0x1;
	v4 =	vsel vm0, $0x1, v0  }
0x27: {  	v5 =	vsel vm1, $0x1, v0;
	v2 =	vadd.s32 v4, v2  }
0x28: {  	v3 =	vadd.s32 v5, v3;
	(xrf0) =	vadd.scan.msk.s32 $0xffff, v2  }
0x29: {  	(xrf0) =	vadd.scan.msk.s32 $0xffff, v3;
	_ =	sdelay $0x4  }
0x2a: {  	v2, _, _ =	vpop (xrf0)  }
0x2b: {  	(v2sf) =	vpush v2, $0xF;
	v2, _, _ =	vpop (xrf0)  }
0x2c: {  	(v2sf) =	vpush v2, $0xF;
	_ =	sdelay $0x5  }
0x2d: {  	s24 =	simm.s32 $0x0  }
0x2e: {  	v2 =	vld [tilespmem:s24+$0x200];
	_ =	sdelay $0x4  }
0x2f: {  	vm11 =	veq.s32 v2, $0x0  }
0x30: {  	vm12 =	veq.s32 v2, $0x1;
	v3 =	vsel vm11, $0x1, v0  }
0x31: {  	vm2 =	veq.s32 v2, $0x2;
	v4 =	vsel vm12, $0x1, v0;
	(xrf0) =	vadd.scan.msk.s32 $0xffff, v3;
	s21 =	spop (v2sf)  }
0x32: {  	v2 =	vsel vm2, $0x1, v0;
	(xrf0) =	vadd.scan.msk.s32 $0xffff, v4;
	s22 =	spop (v2sf)  }
0x33: {  	(xrf0) =	vadd.scan.msk.s32 $0xffff, v2;
	s20 =	sadd.s32 $0xF, s21;
	s19 =	sadd.s32 $0xF, s22  }
0x34: {  	s25 =	simm.s32 $0x0;
	s23 =	sand.u32 $0xFFFFFFF0, s20;
	s19 =	sand.u32 $0xFFFFFFF0, s19  }
0x35: {  	v2 =	vmov s25;
	v3 =	vmov s23;
	s19 =	sadd.s32 s23, s19  }
0x36: {  	v2 =	vadd.s32 $0xFFFFFFFF, v2;
	v3 =	vadd.s32 $0xFFFFFFFF, v3;
	v4 =	vmov s19  }
0x37: {  	v2 =	vbroadcast v2, $0x0;
	v5, _, _ =	vpop (xrf0);
	v3 =	vbroadcast v3, $0x0;
	v4 =	vadd.s32 $0xFFFFFFFF, v4  }
0x38: {  	v6, _, _ =	vpop (xrf0);
	v4 =	vbroadcast v4, $0x0  }
0x39: {  	v2 =	vadd.s32 v5, v2;
	v7, _, _ =	vpop (xrf0);
	v3 =	vadd.s32 v6, v3  }
0x3a: {  	v2 =	vnsel vm11, $0x0, v2;
	v3 =	vnsel vm12, $0x0, v3;
	v4 =	vadd.s32 v7, v4  }
0x3b: {  	v2 =	vadd.s32 v3, v2;
	v3 =	vnsel vm2, $0x0, v4  }
0x3c: {  	v2 =	vadd.s32 v3, v2  }
0x3d: {  	v3 =	vshll.u32 v2, $0x3  }
0x3e: {  	(v2sf) =	vpush v5, $0xF;
	v4 =	vld [tilespmem:s24+$0x0];
	v5 =	vand.u32 $0xF, v2;
	v3 =	vand.u32 $0xFFFFFF80, v3  }
0x3f: {  	(v2sf) =	vpush v6, $0xF;
	v3 =	vor.u32 v5, v3  }
0x40: {  	(v2sf) =	vpush v7, $0xF;
	_ =	sdelay $0x2  }
0x41: {  	v5 =	vor.u32 s7, v1;
	[tilespmem:v2+s13+$0x0] =	vst.idx.msk $0xffff, v4  }
0x42: {  	s29 =	simm.s32 $0x10;
	[tilespmem:v3+s14+$0x0] =	vst.idx.msk $0xffff, v5  }
0x43: {  	v2 =	vld [tilespmem:s29+$0x200];
	_ =	sdelay $0x4  }
0x44: {  	vm13 =	veq.s32 v2, $0x0  }
0x45: {  	vm14 =	veq.s32 v2, $0x1;
	v3 =	vsel vm13, $0x1, v0  }
0x46: {  	vm15 =	veq.s32 v2, $0x2;
	v4 =	vsel vm14, $0x1, v0;
	(xrf0) =	vadd.scan.msk.s32 $0xffff, v3  }
0x47: {  	s26 =	spop (v2sf);
	v2 =	vsel vm15, $0x1, v0;
	(xrf0) =	vadd.scan.msk.s32 $0xffff, v4  }
0x48: {  	s31 =	spop (v2sf);
	(xrf0) =	vadd.scan.msk.s32 $0xffff, v2  }
0x49: {  	s24 =	sadd.s32 $0x0, s26;
	s25 =	sadd.s32 s23, s31;
	s26 =	spop (v2sf)  }
0x4a: {  	s26 =	sadd.s32 s19, s26;
	v3 =	vmov s25;
	v2 =	vmov s24  }
0x4b: {  	v3 =	vadd.s32 $0xFFFFFFFF, v3;
	v4 =	vmov s26;
	v2 =	vadd.s32 $0xFFFFFFFF, v2  }
0x4c: {  	v3 =	vbroadcast v3, $0x0;
	v4 =	vadd.s32 $0xFFFFFFFF, v4;
	v2 =	vbroadcast v2, $0x0;
	v5, _, _ =	vpop (xrf0)  }
0x4d: {  	v4 =	vbroadcast v4, $0x0;
	v6, _, _ =	vpop (xrf0);
	(v2sf) =	vpush v5, $0xF  }
0x4e: {  	v2 =	vadd.s32 v5, v2;
	v3 =	vadd.s32 v6, v3;
	v7, _, _ =	vpop (xrf0);
	(v2sf) =	vpush v6, $0xF  }
0x4f: {  	v2 =	vnsel vm13, $0x0, v2;
	v3 =	vnsel vm14, $0x0, v3;
	v4 =	vadd.s32 v7, v4  }
0x50: {  	(v2sf) =	vpush v7, $0xF;
	v2 =	vadd.s32 v3, v2;
	v3 =	vnsel vm15, $0x0, v4  }
0x51: {  	v2 =	vadd.s32 v3, v2  }
0x52: {  	v3 =	vshll.u32 v2, $0x3  }
0x53: {  	v4 =	vand.u32 $0xF, v2;
	v5 =	vand.u32 $0xFFFFFF80, v3;
	v3 =	vld [tilespmem:s29+$0x0]  }
0x54: {  	v4 =	vor.u32 v4, v5  }
0x55: {  	s28 =	simm.s32 $0x80;
	s30 =	simm.s32 $0xC0;
	s29 =	smov.u32 s7  }
.LBB2_4:
0x56: {  	p0 =	sne.s32 s30, $0x7C0  }
0x57: {  	s29 =	sadd.s32 $0x10, s29  }
0x58: {  	v5 =	vor.u32 s29, v1;
	[tilespmem:v2+s13+$0x0] =	vst.idx.msk $0xffff, v3  }
0x59: {  	s31 =	sshra.s32 s28, $0x2;
	s28 =	smov.u32 s30;
	[tilespmem:v4+s14+$0x0] =	vst.idx.msk $0xffff, v5  }
0x5a: {  	v2 =	vld [tilespmem:s31+$0x200];
	_ =	sdelay $0x1  }
0x5b: {  	s1 =	spop (v2sf)  }
0x5c: {  	s24 =	sadd.s32 s24, s1;
	s1 =	spop (v2sf)  }
0x5d: {  	s25 =	sadd.s32 s25, s1  }
0x5e: {  	vm0 =	veq.s32 v2, $0x0;
	s1 =	spop (v2sf)  }
0x5f: {  	vm1 =	veq.s32 v2, $0x1;
	v3 =	vsel vm0, $0x1, v0;
	s26 =	sadd.s32 s26, s1  }
0x60: {  	vm2 =	veq.s32 v2, $0x2;
	v4 =	vsel vm1, $0x1, v0;
	(xrf0) =	vadd.scan.msk.s32 $0xffff, v3  }
0x61: {  	v2 =	vsel vm2, $0x1, v0;
	(xrf0) =	vadd.scan.msk.s32 $0xffff, v4  }
0x62: {  	(xrf0) =	vadd.scan.msk.s32 $0xffff, v2;
	_ =	sdelay $0x1  }
0x63: {  	v3 =	vmov s25;
	v2 =	vmov s24  }
0x64: {  	v3 =	vadd.s32 $0xFFFFFFFF, v3;
	v4 =	vmov s26;
	v2 =	vadd.s32 $0xFFFFFFFF, v2  }
0x65: {  	v3 =	vbroadcast v3, $0x0;
	v4 =	vadd.s32 $0xFFFFFFFF, v4;
	v2 =	vbroadcast v2, $0x0;
	v5, _, _ =	vpop (xrf0)  }
0x66: {  	v4 =	vbroadcast v4, $0x0;
	v6, _, _ =	vpop (xrf0);
	(v2sf) =	vpush v5, $0xF  }
0x67: {  	v2 =	vadd.s32 v5, v2;
	v3 =	vadd.s32 v6, v3;
	v5, _, _ =	vpop (xrf0);
	(v2sf) =	vpush v6, $0xF  }
0x68: {  	v2 =	vnsel vm0, $0x0, v2;
	v3 =	vnsel vm1, $0x0, v3;
	v4 =	vadd.s32 v5, v4  }
0x69: {  	v2 =	vadd.s32 v3, v2;
	v3 =	vnsel vm2, $0x0, v4;
	(v2sf) =	vpush v5, $0xF  }
.Ltmp3:
0x6a: {  	v2 =	vadd.s32 v3, v2;
	(pc) =	sbr.rel @p0 .LBB2_4-.Ltmp3, $4  }
0x6b: {  	v4 =	vshll.u32 v2, $0x3  }
0x6c: {  	v5 =	vand.u32 $0xF, v2;
	v3 =	vld [tilespmem:s31+$0x0];
	v4 =	vand.u32 $0xFFFFFF80, v4  }
0x6d: {  	v4 =	vor.u32 v5, v4  }
0x6e: {  	s30 =	sadd.s32 $0x40, s30  }
0x6f: {  	_ =	sdelay $0x2  }
0x70: {  	s1 =	sadd.s32 $0x10, s29  }
0x71: {  	v5 =	vor.u32 s1, v1;
	[tilespmem:v2+s13+$0x0] =	vst.idx.msk $0xffff, v3  }
0x72: {  	s28 =	sshra.s32 s28, $0x2;
	[tilespmem:v4+s14+$0x0] =	vst.idx.msk $0xffff, v5  }
0x73: {  	v2 =	vld [tilespmem:s28+$0x200];
	_ =	sdelay $0x4  }
0x74: {  	vm0 =	veq.s32 v2, $0x0  }
0x75: {  	v3 =	vsel vm0, $0x1, v0  }
0x76: {  	(xrf0) =	vadd.scan.msk.s32 $0xffff, v3;
	_ =	sdelay $0x4  }
0x77: {  	vm1 =	veq.s32 v2, $0x1  }
0x78: {  	vm2 =	veq.s32 v2, $0x2;
	v3 =	vsel vm1, $0x1, v0;
	v2, _, _ =	vpop (xrf0)  }
0x79: {  	s31 =	spop (v2sf);
	v53 =	vsel vm2, $0x1, v0;
	(xrf0) =	vadd.scan.msk.s32 $0xffff, v3;
	(v2sf) =	vpush v2, $0xF  }
0x7a: {  	s30 =	spop (v2sf);
	(xrf0) =	vadd.scan.msk.s32 $0xffff, v53  }
0x7b: {  	s24 =	sadd.s32 s24, s31;
	s25 =	sadd.s32 s25, s30;
	s30 =	spop (v2sf)  }
0x7c: {  	v54 =	vmov s25;
	s26 =	sadd.s32 s26, s30;
	v3 =	vmov s24  }
0x7d: {  	v4 =	vadd.s32 $0xFFFFFFFF, v54;
	v55 =	vmov s26;
	v3 =	vadd.s32 $0xFFFFFFFF, v3  }
0x7e: {  	v4 =	vbroadcast v4, $0x0;
	v5 =	vadd.s32 $0xFFFFFFFF, v55;
	v3 =	vbroadcast v3, $0x0  }
0x7f: {  	v5 =	vbroadcast v5, $0x0;
	v6, _, _ =	vpop (xrf0)  }
0x80: {  	v2 =	vadd.s32 v2, v3;
	v3 =	vadd.s32 v6, v4;
	v56, _, _ =	vpop (xrf0);
	(v2sf) =	vpush v6, $0xF  }
0x81: {  	v2 =	vnsel vm0, $0x0, v2;
	v3 =	vnsel vm1, $0x0, v3;
	v5 =	vadd.s32 v56, v5  }
0x82: {  	v2 =	vadd.s32 v3, v2;
	v3 =	vnsel vm2, $0x0, v5  }
0x83: {  	v2 =	vadd.s32 v3, v2  }
0x84: {  	v3 =	vshll.u32 v2, $0x3  }
0x85: {  	v57 =	vld [tilespmem:s28+$0x0];
	v58 =	vand.u32 $0xF, v2;
	v3 =	vand.u32 $0xFFFFFF80, v3  }
0x86: {  	v3 =	vor.u32 v58, v3  }
0x87: {  	(v2sf) =	vpush v56, $0xF  }
0x88: {  	s31 =	spop (v2sf)  }
0x89: {  	s1 =	sadd.s32 $0x10, s1;
	s24 =	sadd.s32 s24, s31  }
0x8a: {  	v59 =	vor.u32 s1, v1;
	[tilespmem:v2+s13+$0x0] =	vst.idx.msk $0xffff, v57;
	v2 =	vadd.s32 s24, v1  }
0x8b: {  	[tilespmem:v3+s14+$0x0] =	vst.idx.msk $0xffff, v59;
	vm13 =	vlt.s32 v2, s23;
	v3 =	vshll.u32 v2, $0x3  }
0x8c: {  	v4 =	vld.msk [tilespmem:$0x400 ss:$0x0], $0xffff;
	v60 =	vand.u32 $0xF, v2;
	v3 =	vand.u32 $0xFFFFFF80, v3  }
0x8d: {  	v61 =	vld.msk [tilespmem:$0x680 ss:$0x0], $0xffff;
	v3 =	vor.u32 v60, v3;
	_ =	sdelay $0x1  }
0x8e: {  	s24 =	spop (v2sf)  }
0x8f: {  	s1 =	sadd.s32 s25, s24;
	s24 =	simm.s32 $0x400  }
0x90: {  	[tilespmem:v2+s24+$0x0] =	vst.idx.msk vm13, v4;
	v2 =	vadd.s32 s1, v1  }
0x91: {  	s25 =	sshll.u32 s20, $0x3;
	[tilespmem:v3+s14+$0x0] =	vst.idx.msk vm13, v61;
	vm14 =	vlt.s32 v2, s19;
	v3 =	vshll.u32 v2, $0x3  }
0x92: {  	s1 =	sand.u32 $0xFFFFFF80, s25;
	v62 =	vand.u32 $0xF, v2;
	v4 =	vld.msk [tilespmem:s23+$0x400 ss:$0x0], $0xffff;
	v3 =	vand.u32 $0xFFFFFF80, v3  }
0x93: {  	v6 =	vld.msk [tilespmem:s1+$0x680 ss:$0x0], $0xffff;
	v3 =	vor.u32 v62, v3  }
0x94: {  	s28 =	sadd.s32 s22, s21  }
0x95: {  	s29 =	spop (v2sf);
	s1 =	ssub.s32 $0x20F, s28  }
0x96: {  	s30 =	sadd.s32 s26, s29;
	s1 =	sand.u32 $0xFFFFFFF0, s1  }
0x97: {  	s21 =	sadd.s32 s1, s19;
	[tilespmem:v2+s24+$0x0] =	vst.idx.msk vm14, v4;
	v2 =	vadd.s32 s30, v1  }
0x98: {  	s31 =	sshll.u32 s19, $0x5;
	[tilespmem:v3+s14+$0x0] =	vst.idx.msk vm14, v6;
	vm15 =	vlt.s32 v2, s21;
	v3 =	vshll.u32 v2, $0x3  }
0x99: {  	s22 =	sshra.s32 s20, $0x4;
	s1 =	sshra.s32 s31, $0x2;
	v63 =	vand.u32 $0xF, v2;
	v4 =	vld.msk [tilespmem:s19+$0x400 ss:$0x0], $0xffff;
	v3 =	vand.u32 $0xFFFFFF80, v3  }
0x9a: {  	p0 =	sgt.s32 s22, $0x0;
	v6 =	vld.msk [tilespmem:s1+$0x680 ss:$0x0], $0xffff;
	v3 =	vor.u32 v63, v3  }
.Ltmp4:
0x9b: {  	_ = 	snop;
	(pc) =	sbr.rel @!p0 .LBB2_6-.Ltmp4, $3  }
0x9c: {  	_ =	sdelay $0x1  }
0x9d: {  	[tilespmem:v2+s24+$0x0] =	vst.idx.msk vm15, v4  }
0x9e: {  	s20 =	simm.s32 $0x1A80;
	[tilespmem:v3+s14+$0x0] =	vst.idx.msk vm15, v6  }
0x9f: {  	p0 =	seq.s32 s22, $0x1  }
.Ltmp5:
0xa0: {  	_ = 	snop;
	(pc) =	sbr.rel @p0 .LBB2_6-.Ltmp5, $3  }
0xa1: {  	_ =	sdelay $0x1  }
0xa2: {  	[tilespmem:s20], [sflag:$0x1] =	stream.indirect.gather [hbm4b:s0+s15], $0x80, s24, s15, $0xb8;
	[tilespmem:$0x13280] =	vst v63  }
0xa3: {  	s23 =	sadd.s32 $0xFFFFFFFF, s22  }
.LBB2_22:
0xa4: {  	p0 =	seq.s32 s23, $0x1  }
.Ltmp6:
0xa5: {  	_ = 	snop;
	(pc) =	sbr.rel @!p0 .LBB2_22-.Ltmp6, $4  }
0xa6: {  	_ = 	snop  }
0xa7: {  	s24 =	sadd.s32 $0x10, s24;
	s20 =	sadd.s32 $0x800, s20  }
0xa8: {  	s23 =	sadd.s32 $0xFFFFFFFF, s23  }
0xa9: {  	[tilespmem:s20], [sflag:$0x1] =	stream.indirect.gather [hbm4b:s0+s15], $0x80, s24, s15, $0xb8;
	[tilespmem:$0x13280] =	vst v63  }
.LBB2_6:
0xaa: {  	s20 =	sshra.s32 s19, $0x4  }
0xab: {  	p0 =	sle.s32 s20, s22  }
.Ltmp7:
0xac: {  	_ = 	snop;
	(pc) =	sbr.rel @p0 .LBB2_9-.Ltmp7, $1  }
0xad: {  	_ =	sdelay $0x3  }
0xae: {  	s23 =	ssub.s32 s20, s22  }
0xaf: {  	p0 =	seq.s32 s23, $0x1  }
.Ltmp8:
0xb0: {  	_ = 	snop;
	(pc) =	sbr.rel @p0 .LBB2_9-.Ltmp8, $4  }
0xb1: {  	s1 =	sshll.u32 s22, $0x6;
	s19 =	sshll.u32 s22, $0xD  }
0xb2: {  	s1 =	sshra.s32 s1, $0x2;
	s24 =	sshra.s32 s19, $0x2  }
0xb3: {  	s23 =	sadd.s32 $0xFFFFFFFF, s23;
	s19 =	sadd.s32 $0x400, s1;
	s22 =	sadd.s32 $0x1A80, s24  }
0xb4: {  	[tilespmem:s22], [sflag:$0x1] =	stream.indirect.gather [hbm4b:s2+s15], $0x80, s19, s15, $0xb8;
	[tilespmem:$0x13280] =	vst v63  }
.LBB2_8:
0xb5: {  	p0 =	seq.s32 s23, $0x1  }
.Ltmp9:
0xb6: {  	_ = 	snop;
	(pc) =	sbr.rel @!p0 .LBB2_8-.Ltmp9, $4  }
0xb7: {  	_ = 	snop  }
0xb8: {  	s19 =	sadd.s32 $0x10, s19;
	s22 =	sadd.s32 $0x800, s22  }
0xb9: {  	s23 =	sadd.s32 $0xFFFFFFFF, s23  }
0xba: {  	[tilespmem:s22], [sflag:$0x1] =	stream.indirect.gather [hbm4b:s2+s15], $0x80, s19, s15, $0xb8;
	[tilespmem:$0x13280] =	vst v63  }
.LBB2_9:
0xbb: {  	s19 =	sshra.s32 s21, $0x4  }
0xbc: {  	p0 =	sle.s32 s19, s20  }
.Ltmp10:
0xbd: {  	_ = 	snop;
	(pc) =	sbr.rel @p0 .LBB2_12-.Ltmp10, $1  }
0xbe: {  	_ =	sdelay $0x3  }
0xbf: {  	s22 =	ssub.s32 s19, s20  }
0xc0: {  	p0 =	seq.s32 s22, $0x1  }
.Ltmp11:
0xc1: {  	_ = 	snop;
	(pc) =	sbr.rel @p0 .LBB2_12-.Ltmp11, $4  }
0xc2: {  	s1 =	sshll.u32 s20, $0x6;
	s21 =	sshll.u32 s20, $0xD  }
0xc3: {  	s1 =	sshra.s32 s1, $0x2;
	s21 =	sshra.s32 s21, $0x2  }
0xc4: {  	s22 =	sadd.s32 $0xFFFFFFFF, s22;
	s20 =	sadd.s32 $0x400, s1;
	s21 =	sadd.s32 $0x1A80, s21  }
0xc5: {  	[tilespmem:s21], [sflag:$0x1] =	stream.indirect.gather [hbm4b:s3+s15], $0x80, s20, s15, $0xb8;
	[tilespmem:$0x13280] =	vst v63  }
.LBB2_11:
0xc6: {  	p0 =	seq.s32 s22, $0x1  }
.Ltmp12:
0xc7: {  	_ = 	snop;
	(pc) =	sbr.rel @!p0 .LBB2_11-.Ltmp12, $4  }
0xc8: {  	_ = 	snop  }
0xc9: {  	s20 =	sadd.s32 $0x10, s20;
	s21 =	sadd.s32 $0x800, s21  }
0xca: {  	s22 =	sadd.s32 $0xFFFFFFFF, s22  }
0xcb: {  	[tilespmem:s21], [sflag:$0x1] =	stream.indirect.gather [hbm4b:s3+s15], $0x80, s20, s15, $0xb8;
	[tilespmem:$0x13280] =	vst v63  }
.LBB2_12:
0xcc: {  	p0 =	sgt.s32 s19, $0x0  }
.Ltmp13:
0xcd: {  	_ = 	snop;
	(pc) =	sbr.rel @!p0 .LBB2_19-.Ltmp13, $2  }
0xce: {  	_ =	sdelay $0x2  }
0xcf: {  	s20 =	smov.u32 s19  }
.LBB2_13:
0xd0: {  	p0 =	sne.s32 s20, $0x1  }
.Ltmp14:
0xd1: {  	_ = 	snop;
	(pc) =	sbr.rel @p0 .LBB2_13-.Ltmp14, $4  }
0xd2: {  	_ = 	snop  }
0xd3: {  	_ =	swait.ge [sflag:s16], $0x800  }
0xd4: {  	[sflag:s16] =	ssyncset.done $0x0  }
0xd5: {  	s20 =	sadd.s32 $0xFFFFFFFF, s20;
	[sflag:s16] =	ssyncadd.s32 $0xFFFFF800  }
0xd6: {  	p0 =	sne.s32 s19, $0x1  }
.Ltmp15:
0xd7: {  	_ = 	snop;
	(pc) =	sbr.rel @!p0 .LBB2_16-.Ltmp15, $3  }
0xd8: {  	_ =	sdelay $0x1  }
0xd9: {  	s20 =	simm.s32 $0x680;
	s21 =	simm.s32 $0x1A80;
	s22 =	sadd.s32 $0xFFFFFFFF, s19  }
0xda: {  	[hbm4b:s5+s15] =	stream.indirect.scatter [tilespmem:s21], [sflag:$0x2], $0x80, s20, s15, $0xb8;
	[tilespmem:$0x13280] =	vst v63  }
.LBB2_15:
0xdb: {  	p1 =	sne.s32 s22, $0x1  }
.Ltmp16:
0xdc: {  	_ = 	snop;
	(pc) =	sbr.rel @p1 .LBB2_15-.Ltmp16, $4  }
0xdd: {  	_ = 	snop  }
0xde: {  	s20 =	sadd.s32 $0x80, s20;
	s21 =	sadd.s32 $0x800, s21  }
0xdf: {  	s22 =	sadd.s32 $0xFFFFFFFF, s22  }
0xe0: {  	[hbm4b:s5+s15] =	stream.indirect.scatter [tilespmem:s21], [sflag:$0x2], $0x80, s20, s15, $0xb8;
	[tilespmem:$0x13280] =	vst v63  }
.LBB2_16:
.Ltmp17:
0xe1: {  	(pc) =	sbr.rel @!p0 .LBB2_18-.Ltmp17, $3  }
0xe2: {  	_ =	sdelay $0x1  }
0xe3: {  	_ =	swait.ge [sflag:s17], $0x800  }
0xe4: {  	s19 =	sadd.s32 $0xFFFFFFFF, s19;
	[sflag:s17] =	ssyncset.done $0x0  }
.LBB2_17:
0xe5: {  	p0 =	sne.s32 s19, $0x1;
	s19 =	sadd.s32 $0xFFFFFFFF, s19;
	[sflag:s17] =	ssyncadd.s32 $0xFFFFF800  }
.Ltmp18:
0xe6: {  	(pc) =	sbr.rel @p0 .LBB2_17-.Ltmp18, $3  }
0xe7: {  	_ =	sdelay $0x1  }
0xe8: {  	_ =	swait.ge [sflag:s17], $0x800  }
0xe9: {  	[sflag:s17] =	ssyncset.done $0x0  }
.Ltmp19:
0xea: {  	_ = 	snop;
	(pc) =	sbr.rel .LBB2_18-.Ltmp19, $1  }
0xeb: {  	_ =	sdelay $0x3  }
.LBB2_20:
0xec: {  	_ =	sfence.sel $0x180000  }
0xed: {  	[bflag:$0x0] =	sbarrier.arrive $0xFFFF  }
0xee: {  	_ =	strace $0x90000047  }
0xef: {  	[bflag:$0x2] =	sbarrier.arrive $0xFFFF  }
0xf0: {  	p0 =	sne.s32 s4, $0x0;
	s0 =	rddreg [dreg:$0x6]  }
0xf1: {  	s0 =	sadd.s32 @!p0 $0x100000, s0  }
0xf2: {  	[sflag:s0] =	ssyncadd.tile.s32 @!p0 $0x1;
	_ =	shalt  }
.Lfunc_end2:
_tile_overlayer_lowered:
.L_overlay_start_2:
0xf3: {  	(tag) =	ssettag $0x2  }
0xf4: {  	s0 =	rddreg [dreg:$0x0];
	s2 =	stileid.u32  }
0xf5: {  	s1 =	rddreg [dreg:$0x1];
	p0 =	sne.s32 s2, $0x0  }
0xf6: {  	s3 =	rddreg [dreg:$0x2];
	[bflag:$0x3] =	sbarrier.arrive $0xFFFF;
	s2 =	simm.s32 @!p0 $0x1C03  }
0xf7: {  	[timem:s3], [sflag:s2] =	dma.local @!p0 [hbm:s0], s1  }
0xf8: {  	s0 =	simm.s32 @!p0 $0x3  }
0xf9: {  	_ =	swait.ge @!p0 [sflag:s0], s1  }
0xfa: {  	s1 =	ssub.s32 @!p0 $0x0, s1;
	[sflag:s0] =	ssyncset.done @!p0 $0x0  }
0xfb: {  	[sflag:s0] =	ssyncadd.s32 @!p0 s1  }
0xfc: {  	[bflag:$0x3] =	sbarrier.arrive $0xFFFF  }
0xfd: {  	_ =	shalt  }

</sc_bundles>
